<compile_context>
chip_gen: v7x
topology: tpu7x:2x2x1
jax: 0.10.2.dev20260603
libtpu: 0.0.44.dev20260713+nightly
codegen_flags: <defaults>
</compile_context>

<pallas_src>
import functools

import jax
import jax.numpy as jnp
from jax import lax
from jax.experimental import pallas as pl
from jax.experimental.pallas import tpu as pltpu
from jax.experimental.pallas import tpu_sc as plsc

NC = 2
NS = 16
CHUNK = 128


def _row_chunks(n_rows):
    offs = [t * CHUNK for t in range(n_rows // CHUNK)]
    if n_rows % CHUNK:
        offs.append(n_rows - CHUNK)
    return offs


def _sc_agg_body(n_chunks, n_rows_per_sub,
                 x2, src2, dst, z128,
                 agg_out,
                 gidx_v, dst_v, rows_v, acc):
    c = lax.axis_index("c")
    s = lax.axis_index("s")
    r0 = s * n_rows_per_sub
    offs = _row_chunks(n_rows_per_sub)

    pltpu.sync_copy(z128, rows_v)
    for off in offs:
        pltpu.sync_copy(rows_v, acc.at[pl.ds(r0 + off, CHUNK)])
    plsc.subcore_barrier()

    e0 = s * (n_chunks * CHUNK)

    def body(i, carry):
        base = e0 + i * CHUNK
        pltpu.sync_copy(src2.at[c, pl.ds(base, CHUNK)], gidx_v)
        pltpu.sync_copy(dst.at[pl.ds(base, CHUNK)], dst_v)
        pltpu.sync_copy(x2.at[gidx_v], rows_v)
        pltpu.sync_copy(rows_v, acc.at[dst_v], add=True)
        return carry

    lax.fori_loop(0, n_chunks, body, 0)
    plsc.subcore_barrier()

    for off in offs:
        pltpu.sync_copy(acc.at[pl.ds(r0 + off, CHUNK)], rows_v)
        pltpu.sync_copy(rows_v, agg_out.at[c, pl.ds(r0 + off, CHUNK)])


def _sc_deg_body(n_chunks, n_rows_per_sub,
                 dst, z128, ones128,
                 deg_out,
                 dst_v, rows_v, ones_v, acc):
    s = lax.axis_index("s")
    r0 = s * n_rows_per_sub
    offs = _row_chunks(n_rows_per_sub)

    pltpu.sync_copy(z128, rows_v)
    pltpu.sync_copy(ones128, ones_v)
    for off in offs:
        pltpu.sync_copy(rows_v, acc.at[pl.ds(r0 + off, CHUNK)])
    plsc.subcore_barrier()

    e0 = s * (n_chunks * CHUNK)

    def body(i, carry):
        base = e0 + i * CHUNK
        pltpu.sync_copy(dst.at[pl.ds(base, CHUNK)], dst_v)
        pltpu.sync_copy(ones_v, acc.at[dst_v], add=True)
        return carry

    lax.fori_loop(0, n_chunks, body, 0)
    plsc.subcore_barrier()

    for off in offs:
        pltpu.sync_copy(acc.at[pl.ds(r0 + off, CHUNK)], rows_v)
        pltpu.sync_copy(rows_v, deg_out.at[pl.ds(r0 + off, CHUNK)])


def _tc_body(a0_ref, a1_ref, deg_ref, x_ref, w_ref, b_ref, g_ref, be_ref,
             o_ref):
    deg = jnp.maximum(deg_ref[:, 0:1], 1.0)
    a0 = a0_ref[0] / deg
    a1 = a1_ref[0] / deg
    h = lax.dot_general(a0, w_ref[0:128, :], (((1,), (0,)), ((), ())),
                        precision=lax.Precision.HIGHEST,
                        preferred_element_type=jnp.float32)
    h = h + lax.dot_general(a1, w_ref[128:256, :], (((1,), (0,)), ((), ())),
                            precision=lax.Precision.HIGHEST,
                            preferred_element_type=jnp.float32)
    y = x_ref[...] + h + b_ref[...]
    mu = jnp.mean(y, axis=1, keepdims=True)
    yc = y - mu
    var = jnp.mean(yc * yc, axis=1, keepdims=True)
    o_ref[...] = yc * lax.rsqrt(var + 1e-5) * g_ref[...] + be_ref[...]


@jax.jit
def kernel(x, edge_index, W, b, gamma, beta):
    N, D = x.shape
    E = edge_index.shape[1]
    assert D == 256
    HALF = D // 2

    src = edge_index[0]
    dst = edge_index[1]

    per_sub = -(-E // (NS * CHUNK)) * CHUNK
    n_chunks = per_sub // CHUNK
    e_pad = per_sub * NS
    if e_pad != E:
        pad = e_pad - E
        src = jnp.concatenate([src, jnp.zeros((pad,), jnp.int32)])
        dst = jnp.concatenate([dst, jnp.full((pad,), N, jnp.int32)])

    x2 = x.reshape(N * 2, HALF)
    src2 = jnp.stack([src * 2, src * 2 + 1])
    n_rows_per_sub = -(-N // (NS * 8)) * 8
    n_pad = n_rows_per_sub * NS
    assert n_pad > N

    z128 = jnp.zeros((CHUNK, HALF), jnp.float32)

    mesh = plsc.VectorSubcoreMesh(core_axis_name="c", subcore_axis_name="s")
    sc_agg = pl.kernel(
        functools.partial(_sc_agg_body, n_chunks, n_rows_per_sub),
        out_type=jax.ShapeDtypeStruct((2, n_pad, HALF), jnp.float32),
        mesh=mesh,
        scratch_types=[
            pltpu.VMEM((CHUNK,), jnp.int32),
            pltpu.VMEM((CHUNK,), jnp.int32),
            pltpu.VMEM((CHUNK, HALF), jnp.float32),
            pltpu.VMEM_SHARED((n_pad, HALF), jnp.float32),
        ],
    )
    agg2 = sc_agg(x2, src2, dst, z128)

    ones128 = jnp.ones((CHUNK, HALF), jnp.float32)
    sc_deg = pl.kernel(
        functools.partial(_sc_deg_body, n_chunks, n_rows_per_sub),
        out_type=jax.ShapeDtypeStruct((n_pad, HALF), jnp.float32),
        mesh=mesh,
        scratch_types=[
            pltpu.VMEM((CHUNK,), jnp.int32),
            pltpu.VMEM((CHUNK, HALF), jnp.float32),
            pltpu.VMEM((CHUNK, HALF), jnp.float32),
            pltpu.VMEM_SHARED((n_pad, HALF), jnp.float32),
        ],
    )
    deg2 = sc_deg(dst, z128, ones128)

    BN = 512
    grid = -(-N // BN)
    out = pl.pallas_call(
        _tc_body,
        grid=(grid,),
        in_specs=[
            pl.BlockSpec((1, BN, HALF), lambda i: (0, i, 0)),
            pl.BlockSpec((1, BN, HALF), lambda i: (1, i, 0)),
            pl.BlockSpec((BN, HALF), lambda i: (i, 0)),
            pl.BlockSpec((BN, D), lambda i: (i, 0)),
            pl.BlockSpec((D, D), lambda i: (0, 0)),
            pl.BlockSpec((1, D), lambda i: (0, 0)),
            pl.BlockSpec((1, D), lambda i: (0, 0)),
            pl.BlockSpec((1, D), lambda i: (0, 0)),
        ],
        out_specs=pl.BlockSpec((BN, D), lambda i: (i, 0)),
        out_shape=jax.ShapeDtypeStruct((N, D), jnp.float32),
    )(agg2, agg2, deg2, x, W, b.reshape(1, D), gamma.reshape(1, D),
      beta.reshape(1, D))
    return out

# --- scband reference (transcript-rebuilt; emitter-appended) ---
"""Pipeline reference for scband-residual-gnnblock-15685220565568 (READ-ONLY COPY).

The authoritative reference and input builder live on the scoring server;
editing this copy changes nothing except your own understanding.
"""

import jax, jax.numpy as jnp
import numpy as np

N = 10000
E = 160000
D = 256


def setup_inputs(seed: int = 0) -> dict:
    key = jax.random.key(seed)
    ks = jax.random.split(key, 4)
    x = jax.random.normal(ks[0], (N, D), dtype=jnp.float32)
    edge_index = jax.random.randint(ks[1], (2, E), 0, N, dtype=jnp.int32)
    W = jax.random.normal(ks[2], (D, D), dtype=jnp.float32) * (1.0 / np.sqrt(D))
    b = jnp.zeros((D,), dtype=jnp.float32)
    gamma = jnp.ones((D,), dtype=jnp.float32)
    beta = jnp.zeros((D,), dtype=jnp.float32)
    return {"x": x, "edge_index": edge_index, "W": W, "b": b, "gamma": gamma, "beta": beta}


def _layer_norm(y, gamma, beta, eps=1e-5):
    mu = jnp.mean(y, axis=-1, keepdims=True)
    var = jnp.var(y, axis=-1, keepdims=True)
    return (y - mu) / jnp.sqrt(var + eps) * gamma + beta


def reference(x, edge_index, W, b, gamma, beta):
    # gnn_layer: mean-aggregation GCN-style conv (gather -> segment_sum -> linear)
    src = edge_index[0]
    dst = edge_index[1]
    msg = jnp.take(x, src, axis=0)                                   # gather [E, D]
    agg = jax.ops.segment_sum(msg, dst, num_segments=N)              # scatter-add [N, D]
    deg = jax.ops.segment_sum(jnp.ones((E,), dtype=x.dtype), dst, num_segments=N)
    agg = agg / jnp.maximum(deg, 1.0)[:, None]
    h = agg @ W + b                                                  # linear
    # residual + LayerNorm; dropout is identity in eval mode
    y = _layer_norm(x + h, gamma, beta)
    return y

if __name__ == "__main__":
    import jax
    _d = setup_inputs()
    print(jax.jit(kernel)(*tuple(_d.values())))

</pallas_src>

<mosaic_0001>
#map = affine_map<(d0, d1) -> (0, 0)>
#map1 = affine_map<(d0, d1) -> (0)>
#map2 = affine_map<(d0, d1) -> (0, 0, 0)>
module attributes {stable_mosaic.version = 14 : i64} {
  func.func @_sc_agg_body(%arg0: i32, %arg1: i32, %arg2: memref<20000x128xf32, #tpu.memory_space<hbm>>, %arg3: memref<2x161792xi32, #tpu.memory_space<hbm>>, %arg4: memref<161792xi32, #tpu.memory_space<hbm>>, %arg5: memref<128x128xf32, #tpu.memory_space<hbm>>, %arg6: memref<2x10112x128xf32, #tpu.memory_space<hbm>>, %arg7: memref<128xi32, #tpu.memory_space<vmem>>, %arg8: memref<128xi32, #tpu.memory_space<vmem>>, %arg9: memref<128x128xf32, #tpu.memory_space<vmem>>, %arg10: memref<10112x128xf32, #tpu.memory_space<vmem_shared>>) attributes {dimension_semantics = [#tpu.dimension_semantics<core_parallel>, #tpu.dimension_semantics<subcore_parallel>], iteration_bounds = array<i64: 2, 16>, scalar_prefetch = 0 : i64, scratch_operands = 4 : i64, tpu.core_type = #tpu.core_type<sc_vector_subcore>, window_params = [{transform_indices = #map}, {transform_indices = #map}, {transform_indices = #map1}, {transform_indices = #map}, {transform_indices = #map2}]} {
    %mul3A = arith.constant 632 : i32
    %mul3A_0 = arith.muli %arg1, %mul3A : i32
    "tpu.region"() ({
      %run_scoped3A = tpu.sem_alloc : memref<!tpu.dma_semaphore, #tpu.memory_space<semaphore_mem>>
      tpu.enqueue_dma source(%arg5 : memref<128x128xf32, #tpu.memory_space<hbm>>) target(%arg9 : memref<128x128xf32, #tpu.memory_space<vmem>>) target_semaphore(%run_scoped3A : memref<!tpu.dma_semaphore, #tpu.memory_space<semaphore_mem>>)
      tpu.wait_dma2 semaphore(%run_scoped3A : memref<!tpu.dma_semaphore, #tpu.memory_space<semaphore_mem>>) src(%arg5 : memref<128x128xf32, #tpu.memory_space<hbm>>) dst(%arg9 : memref<128x128xf32, #tpu.memory_space<vmem>>)
      tpu.yield
    }) : () -> ()
    %add3A = arith.constant 0 : i32
    %add3A_1 = arith.addi %mul3A_0, %add3A : i32
    "tpu.region"() ({
      %run_scoped3A = tpu.sem_alloc : memref<!tpu.dma_semaphore, #tpu.memory_space<semaphore_mem>>
      %dma_start3A = arith.constant 0 : i32
      %dma_start3A_38 = tpu.memref_slice %arg10[%add3A_1, %dma_start3A] : memref<10112x128xf32, #tpu.memory_space<vmem_shared>> -> memref<128x128xf32, #tpu.memory_space<vmem_shared>>
      %dma_start3A_39 = arith.constant 0 : i32
      %dma_start3A_40 = tpu.memref_slice %arg10[%add3A_1, %dma_start3A_39] : memref<10112x128xf32, #tpu.memory_space<vmem_shared>> -> memref<128x128xf32, #tpu.memory_space<vmem_shared>>
      tpu.enqueue_dma source(%arg9 : memref<128x128xf32, #tpu.memory_space<vmem>>) target(%dma_start3A_40 : memref<128x128xf32, #tpu.memory_space<vmem_shared>>) target_semaphore(%run_scoped3A : memref<!tpu.dma_semaphore, #tpu.memory_space<semaphore_mem>>)
      %dma_wait3A = arith.constant 0 : i32
      %dma_wait3A_41 = tpu.memref_slice %arg10[%add3A_1, %dma_wait3A] : memref<10112x128xf32, #tpu.memory_space<vmem_shared>> -> memref<128x128xf32, #tpu.memory_space<vmem_shared>>
      %dma_wait3A_42 = arith.constant 0 : i32
      %dma_wait3A_43 = tpu.memref_slice %arg10[%add3A_1, %dma_wait3A_42] : memref<10112x128xf32, #tpu.memory_space<vmem_shared>> -> memref<128x128xf32, #tpu.memory_space<vmem_shared>>
      tpu.wait_dma2 semaphore(%run_scoped3A : memref<!tpu.dma_semaphore, #tpu.memory_space<semaphore_mem>>) src(%arg9 : memref<128x128xf32, #tpu.memory_space<vmem>>) dst(%dma_wait3A_43 : memref<128x128xf32, #tpu.memory_space<vmem_shared>>)
      tpu.yield
    }) : () -> ()
    %add3A_2 = arith.constant 128 : i32
    %add3A_3 = arith.addi %mul3A_0, %add3A_2 : i32
    "tpu.region"() ({
      %run_scoped3A = tpu.sem_alloc : memref<!tpu.dma_semaphore, #tpu.memory_space<semaphore_mem>>
      %dma_start3A = arith.constant 0 : i32
      %dma_start3A_38 = tpu.memref_slice %arg10[%add3A_3, %dma_start3A] : memref<10112x128xf32, #tpu.memory_space<vmem_shared>> -> memref<128x128xf32, #tpu.memory_space<vmem_shared>>
      %dma_start3A_39 = arith.constant 0 : i32
      %dma_start3A_40 = tpu.memref_slice %arg10[%add3A_3, %dma_start3A_39] : memref<10112x128xf32, #tpu.memory_space<vmem_shared>> -> memref<128x128xf32, #tpu.memory_space<vmem_shared>>
      tpu.enqueue_dma source(%arg9 : memref<128x128xf32, #tpu.memory_space<vmem>>) target(%dma_start3A_40 : memref<128x128xf32, #tpu.memory_space<vmem_shared>>) target_semaphore(%run_scoped3A : memref<!tpu.dma_semaphore, #tpu.memory_space<semaphore_mem>>)
      %dma_wait3A = arith.constant 0 : i32
      %dma_wait3A_41 = tpu.memref_slice %arg10[%add3A_3, %dma_wait3A] : memref<10112x128xf32, #tpu.memory_space<vmem_shared>> -> memref<128x128xf32, #tpu.memory_space<vmem_shared>>
      %dma_wait3A_42 = arith.constant 0 : i32
      %dma_wait3A_43 = tpu.memref_slice %arg10[%add3A_3, %dma_wait3A_42] : memref<10112x128xf32, #tpu.memory_space<vmem_shared>> -> memref<128x128xf32, #tpu.memory_space<vmem_shared>>
      tpu.wait_dma2 semaphore(%run_scoped3A : memref<!tpu.dma_semaphore, #tpu.memory_space<semaphore_mem>>) src(%arg9 : memref<128x128xf32, #tpu.memory_space<vmem>>) dst(%dma_wait3A_43 : memref<128x128xf32, #tpu.memory_space<vmem_shared>>)
      tpu.yield
    }) : () -> ()
    %add3A_4 = arith.constant 256 : i32
    %add3A_5 = arith.addi %mul3A_0, %add3A_4 : i32
    "tpu.region"() ({
      %run_scoped3A = tpu.sem_alloc : memref<!tpu.dma_semaphore, #tpu.memory_space<semaphore_mem>>
      %dma_start3A = arith.constant 0 : i32
      %dma_start3A_38 = tpu.memref_slice %arg10[%add3A_5, %dma_start3A] : memref<10112x128xf32, #tpu.memory_space<vmem_shared>> -> memref<128x128xf32, #tpu.memory_space<vmem_shared>>
      %dma_start3A_39 = arith.constant 0 : i32
      %dma_start3A_40 = tpu.memref_slice %arg10[%add3A_5, %dma_start3A_39] : memref<10112x128xf32, #tpu.memory_space<vmem_shared>> -> memref<128x128xf32, #tpu.memory_space<vmem_shared>>
      tpu.enqueue_dma source(%arg9 : memref<128x128xf32, #tpu.memory_space<vmem>>) target(%dma_start3A_40 : memref<128x128xf32, #tpu.memory_space<vmem_shared>>) target_semaphore(%run_scoped3A : memref<!tpu.dma_semaphore, #tpu.memory_space<semaphore_mem>>)
      %dma_wait3A = arith.constant 0 : i32
      %dma_wait3A_41 = tpu.memref_slice %arg10[%add3A_5, %dma_wait3A] : memref<10112x128xf32, #tpu.memory_space<vmem_shared>> -> memref<128x128xf32, #tpu.memory_space<vmem_shared>>
      %dma_wait3A_42 = arith.constant 0 : i32
      %dma_wait3A_43 = tpu.memref_slice %arg10[%add3A_5, %dma_wait3A_42] : memref<10112x128xf32, #tpu.memory_space<vmem_shared>> -> memref<128x128xf32, #tpu.memory_space<vmem_shared>>
      tpu.wait_dma2 semaphore(%run_scoped3A : memref<!tpu.dma_semaphore, #tpu.memory_space<semaphore_mem>>) src(%arg9 : memref<128x128xf32, #tpu.memory_space<vmem>>) dst(%dma_wait3A_43 : memref<128x128xf32, #tpu.memory_space<vmem_shared>>)
      tpu.yield
    }) : () -> ()
    %add3A_6 = arith.constant 384 : i32
    %add3A_7 = arith.addi %mul3A_0, %add3A_6 : i32
    "tpu.region"() ({
      %run_scoped3A = tpu.sem_alloc : memref<!tpu.dma_semaphore, #tpu.memory_space<semaphore_mem>>
      %dma_start3A = arith.constant 0 : i32
      %dma_start3A_38 = tpu.memref_slice %arg10[%add3A_7, %dma_start3A] : memref<10112x128xf32, #tpu.memory_space<vmem_shared>> -> memref<128x128xf32, #tpu.memory_space<vmem_shared>>
      %dma_start3A_39 = arith.constant 0 : i32
      %dma_start3A_40 = tpu.memref_slice %arg10[%add3A_7, %dma_start3A_39] : memref<10112x128xf32, #tpu.memory_space<vmem_shared>> -> memref<128x128xf32, #tpu.memory_space<vmem_shared>>
      tpu.enqueue_dma source(%arg9 : memref<128x128xf32, #tpu.memory_space<vmem>>) target(%dma_start3A_40 : memref<128x128xf32, #tpu.memory_space<vmem_shared>>) target_semaphore(%run_scoped3A : memref<!tpu.dma_semaphore, #tpu.memory_space<semaphore_mem>>)
      %dma_wait3A = arith.constant 0 : i32
      %dma_wait3A_41 = tpu.memref_slice %arg10[%add3A_7, %dma_wait3A] : memref<10112x128xf32, #tpu.memory_space<vmem_shared>> -> memref<128x128xf32, #tpu.memory_space<vmem_shared>>
      %dma_wait3A_42 = arith.constant 0 : i32
      %dma_wait3A_43 = tpu.memref_slice %arg10[%add3A_7, %dma_wait3A_42] : memref<10112x128xf32, #tpu.memory_space<vmem_shared>> -> memref<128x128xf32, #tpu.memory_space<vmem_shared>>
      tpu.wait_dma2 semaphore(%run_scoped3A : memref<!tpu.dma_semaphore, #tpu.memory_space<semaphore_mem>>) src(%arg9 : memref<128x128xf32, #tpu.memory_space<vmem>>) dst(%dma_wait3A_43 : memref<128x128xf32, #tpu.memory_space<vmem_shared>>)
      tpu.yield
    }) : () -> ()
    %add3A_8 = arith.constant 504 : i32
    %add3A_9 = arith.addi %mul3A_0, %add3A_8 : i32
    "tpu.region"() ({
      %run_scoped3A = tpu.sem_alloc : memref<!tpu.dma_semaphore, #tpu.memory_space<semaphore_mem>>
      %dma_start3A = arith.constant 0 : i32
      %dma_start3A_38 = tpu.memref_slice %arg10[%add3A_9, %dma_start3A] : memref<10112x128xf32, #tpu.memory_space<vmem_shared>> -> memref<128x128xf32, #tpu.memory_space<vmem_shared>>
      %dma_start3A_39 = arith.constant 0 : i32
      %dma_start3A_40 = tpu.memref_slice %arg10[%add3A_9, %dma_start3A_39] : memref<10112x128xf32, #tpu.memory_space<vmem_shared>> -> memref<128x128xf32, #tpu.memory_space<vmem_shared>>
      tpu.enqueue_dma source(%arg9 : memref<128x128xf32, #tpu.memory_space<vmem>>) target(%dma_start3A_40 : memref<128x128xf32, #tpu.memory_space<vmem_shared>>) target_semaphore(%run_scoped3A : memref<!tpu.dma_semaphore, #tpu.memory_space<semaphore_mem>>)
      %dma_wait3A = arith.constant 0 : i32
      %dma_wait3A_41 = tpu.memref_slice %arg10[%add3A_9, %dma_wait3A] : memref<10112x128xf32, #tpu.memory_space<vmem_shared>> -> memref<128x128xf32, #tpu.memory_space<vmem_shared>>
      %dma_wait3A_42 = arith.constant 0 : i32
      %dma_wait3A_43 = tpu.memref_slice %arg10[%add3A_9, %dma_wait3A_42] : memref<10112x128xf32, #tpu.memory_space<vmem_shared>> -> memref<128x128xf32, #tpu.memory_space<vmem_shared>>
      tpu.wait_dma2 semaphore(%run_scoped3A : memref<!tpu.dma_semaphore, #tpu.memory_space<semaphore_mem>>) src(%arg9 : memref<128x128xf32, #tpu.memory_space<vmem>>) dst(%dma_wait3A_43 : memref<128x128xf32, #tpu.memory_space<vmem_shared>>)
      tpu.yield
    }) : () -> ()
    %barrier3A = arith.constant 0 : index
    tpu.barrier barrier_id(%barrier3A)
    %mul3A_10 = arith.constant 10112 : i32
    %mul3A_11 = arith.muli %arg1, %mul3A_10 : i32
    %scan3A = arith.constant 0 : i32
    %scan3A_12 = arith.constant 0 : i32
    %scan3A_13 = arith.constant 79 : i32
    %scan3A_14 = arith.addi %scan3A_12, %scan3A_13 : i32
    %scan3A_15 = arith.constant 1 : i32
    scf.for %scan3A_38 = %scan3A_12 to %scan3A_14 step %scan3A_15  : i32 {
      %mul3A_39 = arith.constant 128 : i32
      %mul3A_40 = arith.muli %scan3A_38, %mul3A_39 : i32
      %add3A_41 = arith.addi %mul3A_11, %mul3A_40 : i32
      "tpu.region"() ({
        %run_scoped3A = tpu.sem_alloc : memref<!tpu.dma_semaphore, #tpu.memory_space<semaphore_mem>>
        %dma_start3A = tpu.memref_slice %arg3[%arg0, %add3A_41] : memref<2x161792xi32, #tpu.memory_space<hbm>> -> memref<1x128xi32, #tpu.memory_space<hbm>>
        %dma_start3A_42 = tpu.memref_squeeze %dma_start3A : memref<1x128xi32, #tpu.memory_space<hbm>> -> memref<128xi32, #tpu.memory_space<hbm>>
        %dma_start3A_43 = tpu.memref_slice %arg3[%arg0, %add3A_41] : memref<2x161792xi32, #tpu.memory_space<hbm>> -> memref<1x128xi32, #tpu.memory_space<hbm>>
        %dma_start3A_44 = tpu.memref_squeeze %dma_start3A_43 : memref<1x128xi32, #tpu.memory_space<hbm>> -> memref<128xi32, #tpu.memory_space<hbm>>
        tpu.enqueue_dma source(%dma_start3A_44 : memref<128xi32, #tpu.memory_space<hbm>>) target(%arg7 : memref<128xi32, #tpu.memory_space<vmem>>) target_semaphore(%run_scoped3A : memref<!tpu.dma_semaphore, #tpu.memory_space<semaphore_mem>>)
        %dma_wait3A = tpu.memref_slice %arg3[%arg0, %add3A_41] : memref<2x161792xi32, #tpu.memory_space<hbm>> -> memref<1x128xi32, #tpu.memory_space<hbm>>
        %dma_wait3A_45 = tpu.memref_squeeze %dma_wait3A : memref<1x128xi32, #tpu.memory_space<hbm>> -> memref<128xi32, #tpu.memory_space<hbm>>
        %dma_wait3A_46 = tpu.memref_slice %arg3[%arg0, %add3A_41] : memref<2x161792xi32, #tpu.memory_space<hbm>> -> memref<1x128xi32, #tpu.memory_space<hbm>>
        %dma_wait3A_47 = tpu.memref_squeeze %dma_wait3A_46 : memref<1x128xi32, #tpu.memory_space<hbm>> -> memref<128xi32, #tpu.memory_space<hbm>>
        tpu.wait_dma2 semaphore(%run_scoped3A : memref<!tpu.dma_semaphore, #tpu.memory_space<semaphore_mem>>) src(%dma_wait3A_47 : memref<128xi32, #tpu.memory_space<hbm>>) dst(%arg7 : memref<128xi32, #tpu.memory_space<vmem>>)
        tpu.yield
      }) : () -> ()
      "tpu.region"() ({
        %run_scoped3A = tpu.sem_alloc : memref<!tpu.dma_semaphore, #tpu.memory_space<semaphore_mem>>
        %dma_start3A = tpu.memref_slice %arg4[%add3A_41] : memref<161792xi32, #tpu.memory_space<hbm>> -> memref<128xi32, #tpu.memory_space<hbm>>
        %dma_start3A_42 = tpu.memref_slice %arg4[%add3A_41] : memref<161792xi32, #tpu.memory_space<hbm>> -> memref<128xi32, #tpu.memory_space<hbm>>
        tpu.enqueue_dma source(%dma_start3A_42 : memref<128xi32, #tpu.memory_space<hbm>>) target(%arg8 : memref<128xi32, #tpu.memory_space<vmem>>) target_semaphore(%run_scoped3A : memref<!tpu.dma_semaphore, #tpu.memory_space<semaphore_mem>>)
        %dma_wait3A = tpu.memref_slice %arg4[%add3A_41] : memref<161792xi32, #tpu.memory_space<hbm>> -> memref<128xi32, #tpu.memory_space<hbm>>
        %dma_wait3A_43 = tpu.memref_slice %arg4[%add3A_41] : memref<161792xi32, #tpu.memory_space<hbm>> -> memref<128xi32, #tpu.memory_space<hbm>>
        tpu.wait_dma2 semaphore(%run_scoped3A : memref<!tpu.dma_semaphore, #tpu.memory_space<semaphore_mem>>) src(%dma_wait3A_43 : memref<128xi32, #tpu.memory_space<hbm>>) dst(%arg8 : memref<128xi32, #tpu.memory_space<vmem>>)
        tpu.yield
      }) : () -> ()
      "tpu.region"() ({
        %run_scoped3A = tpu.sem_alloc : memref<!tpu.dma_semaphore, #tpu.memory_space<semaphore_mem>>
        %dma_start3A = arith.constant 0 : i32
        %dma_start3A_42 = arith.constant 0 : i32
        %dma_start3A_43 = tpu.memref_slice %arg2[%dma_start3A, %dma_start3A_42] : memref<20000x128xf32, #tpu.memory_space<hbm>> -> memref<20000x128xf32, #tpu.memory_space<hbm>>
        tpu.enqueue_indirect_dma source(%dma_start3A_43 : memref<20000x128xf32, #tpu.memory_space<hbm>>) target(%arg9 : memref<128x128xf32, #tpu.memory_space<vmem>>) offsets(%arg7 : memref<128xi32, #tpu.memory_space<vmem>>) semaphore(%run_scoped3A : memref<!tpu.dma_semaphore, #tpu.memory_space<semaphore_mem>>)
        %dma_wait3A = arith.constant 0 : i32
        %dma_wait3A_44 = arith.constant 0 : i32
        %dma_wait3A_45 = tpu.memref_slice %arg2[%dma_wait3A, %dma_wait3A_44] : memref<20000x128xf32, #tpu.memory_space<hbm>> -> memref<20000x128xf32, #tpu.memory_space<hbm>>
        tpu.wait_indirect_dma semaphore(%run_scoped3A : memref<!tpu.dma_semaphore, #tpu.memory_space<semaphore_mem>>) src(%dma_wait3A_45 : memref<20000x128xf32, #tpu.memory_space<hbm>>) dst(%arg9 : memref<128x128xf32, #tpu.memory_space<vmem>>)
        tpu.yield
      }) : () -> ()
      "tpu.region"() ({
        %run_scoped3A = tpu.sem_alloc : memref<!tpu.dma_semaphore, #tpu.memory_space<semaphore_mem>>
        %dma_start3A = arith.constant 0 : i32
        %dma_start3A_42 = arith.constant 0 : i32
        %dma_start3A_43 = tpu.memref_slice %arg10[%dma_start3A, %dma_start3A_42] : memref<10112x128xf32, #tpu.memory_space<vmem_shared>> -> memref<10112x128xf32, #tpu.memory_space<vmem_shared>>
        tpu.enqueue_indirect_dma source(%arg9 : memref<128x128xf32, #tpu.memory_space<vmem>>) target(%dma_start3A_43 : memref<10112x128xf32, #tpu.memory_space<vmem_shared>>) offsets(%arg8 : memref<128xi32, #tpu.memory_space<vmem>>) semaphore(%run_scoped3A : memref<!tpu.dma_semaphore, #tpu.memory_space<semaphore_mem>>) {add = true}
        %dma_wait3A = arith.constant 0 : i32
        %dma_wait3A_44 = arith.constant 0 : i32
        %dma_wait3A_45 = tpu.memref_slice %arg10[%dma_wait3A, %dma_wait3A_44] : memref<10112x128xf32, #tpu.memory_space<vmem_shared>> -> memref<10112x128xf32, #tpu.memory_space<vmem_shared>>
        tpu.wait_indirect_dma semaphore(%run_scoped3A : memref<!tpu.dma_semaphore, #tpu.memory_space<semaphore_mem>>) src(%arg9 : memref<128x128xf32, #tpu.memory_space<vmem>>) dst(%dma_wait3A_45 : memref<10112x128xf32, #tpu.memory_space<vmem_shared>>)
        tpu.yield
      }) : () -> ()
    }
    %scan3A_16 = arith.constant 79 : i32
    %barrier3A_17 = arith.constant 0 : index
    tpu.barrier barrier_id(%barrier3A_17)
    %add3A_18 = arith.constant 0 : i32
    %add3A_19 = arith.addi %mul3A_0, %add3A_18 : i32
    "tpu.region"() ({
      %run_scoped3A = tpu.sem_alloc : memref<!tpu.dma_semaphore, #tpu.memory_space<semaphore_mem>>
      %dma_start3A = arith.constant 0 : i32
      %dma_start3A_38 = tpu.memref_slice %arg10[%add3A_19, %dma_start3A] : memref<10112x128xf32, #tpu.memory_space<vmem_shared>> -> memref<128x128xf32, #tpu.memory_space<vmem_shared>>
      %dma_start3A_39 = arith.constant 0 : i32
      %dma_start3A_40 = tpu.memref_slice %arg10[%add3A_19, %dma_start3A_39] : memref<10112x128xf32, #tpu.memory_space<vmem_shared>> -> memref<128x128xf32, #tpu.memory_space<vmem_shared>>
      tpu.enqueue_dma source(%dma_start3A_40 : memref<128x128xf32, #tpu.memory_space<vmem_shared>>) target(%arg9 : memref<128x128xf32, #tpu.memory_space<vmem>>) target_semaphore(%run_scoped3A : memref<!tpu.dma_semaphore, #tpu.memory_space<semaphore_mem>>)
      %dma_wait3A = arith.constant 0 : i32
      %dma_wait3A_41 = tpu.memref_slice %arg10[%add3A_19, %dma_wait3A] : memref<10112x128xf32, #tpu.memory_space<vmem_shared>> -> memref<128x128xf32, #tpu.memory_space<vmem_shared>>
      %dma_wait3A_42 = arith.constant 0 : i32
      %dma_wait3A_43 = tpu.memref_slice %arg10[%add3A_19, %dma_wait3A_42] : memref<10112x128xf32, #tpu.memory_space<vmem_shared>> -> memref<128x128xf32, #tpu.memory_space<vmem_shared>>
      tpu.wait_dma2 semaphore(%run_scoped3A : memref<!tpu.dma_semaphore, #tpu.memory_space<semaphore_mem>>) src(%dma_wait3A_43 : memref<128x128xf32, #tpu.memory_space<vmem_shared>>) dst(%arg9 : memref<128x128xf32, #tpu.memory_space<vmem>>)
      tpu.yield
    }) : () -> ()
    %add3A_20 = arith.constant 0 : i32
    %add3A_21 = arith.addi %mul3A_0, %add3A_20 : i32
    "tpu.region"() ({
      %run_scoped3A = tpu.sem_alloc : memref<!tpu.dma_semaphore, #tpu.memory_space<semaphore_mem>>
      %dma_start3A = arith.constant 0 : i32
      %dma_start3A_38 = tpu.memref_slice %arg6[%arg0, %add3A_21, %dma_start3A] : memref<2x10112x128xf32, #tpu.memory_space<hbm>> -> memref<1x128x128xf32, #tpu.memory_space<hbm>>
      %dma_start3A_39 = tpu.memref_squeeze %dma_start3A_38 : memref<1x128x128xf32, #tpu.memory_space<hbm>> -> memref<128x128xf32, #tpu.memory_space<hbm>>
      %dma_start3A_40 = arith.constant 0 : i32
      %dma_start3A_41 = tpu.memref_slice %arg6[%arg0, %add3A_21, %dma_start3A_40] : memref<2x10112x128xf32, #tpu.memory_space<hbm>> -> memref<1x128x128xf32, #tpu.memory_space<hbm>>
      %dma_start3A_42 = tpu.memref_squeeze %dma_start3A_41 : memref<1x128x128xf32, #tpu.memory_space<hbm>> -> memref<128x128xf32, #tpu.memory_space<hbm>>
      tpu.enqueue_dma source(%arg9 : memref<128x128xf32, #tpu.memory_space<vmem>>) target(%dma_start3A_42 : memref<128x128xf32, #tpu.memory_space<hbm>>) target_semaphore(%run_scoped3A : memref<!tpu.dma_semaphore, #tpu.memory_space<semaphore_mem>>)
      %dma_wait3A = arith.constant 0 : i32
      %dma_wait3A_43 = tpu.memref_slice %arg6[%arg0, %add3A_21, %dma_wait3A] : memref<2x10112x128xf32, #tpu.memory_space<hbm>> -> memref<1x128x128xf32, #tpu.memory_space<hbm>>
      %dma_wait3A_44 = tpu.memref_squeeze %dma_wait3A_43 : memref<1x128x128xf32, #tpu.memory_space<hbm>> -> memref<128x128xf32, #tpu.memory_space<hbm>>
      %dma_wait3A_45 = arith.constant 0 : i32
      %dma_wait3A_46 = tpu.memref_slice %arg6[%arg0, %add3A_21, %dma_wait3A_45] : memref<2x10112x128xf32, #tpu.memory_space<hbm>> -> memref<1x128x128xf32, #tpu.memory_space<hbm>>
      %dma_wait3A_47 = tpu.memref_squeeze %dma_wait3A_46 : memref<1x128x128xf32, #tpu.memory_space<hbm>> -> memref<128x128xf32, #tpu.memory_space<hbm>>
      tpu.wait_dma2 semaphore(%run_scoped3A : memref<!tpu.dma_semaphore, #tpu.memory_space<semaphore_mem>>) src(%arg9 : memref<128x128xf32, #tpu.memory_space<vmem>>) dst(%dma_wait3A_47 : memref<128x128xf32, #tpu.memory_space<hbm>>)
      tpu.yield
    }) : () -> ()
    %add3A_22 = arith.constant 128 : i32
    %add3A_23 = arith.addi %mul3A_0, %add3A_22 : i32
    "tpu.region"() ({
      %run_scoped3A = tpu.sem_alloc : memref<!tpu.dma_semaphore, #tpu.memory_space<semaphore_mem>>
      %dma_start3A = arith.constant 0 : i32
      %dma_start3A_38 = tpu.memref_slice %arg10[%add3A_23, %dma_start3A] : memref<10112x128xf32, #tpu.memory_space<vmem_shared>> -> memref<128x128xf32, #tpu.memory_space<vmem_shared>>
      %dma_start3A_39 = arith.constant 0 : i32
      %dma_start3A_40 = tpu.memref_slice %arg10[%add3A_23, %dma_start3A_39] : memref<10112x128xf32, #tpu.memory_space<vmem_shared>> -> memref<128x128xf32, #tpu.memory_space<vmem_shared>>
      tpu.enqueue_dma source(%dma_start3A_40 : memref<128x128xf32, #tpu.memory_space<vmem_shared>>) target(%arg9 : memref<128x128xf32, #tpu.memory_space<vmem>>) target_semaphore(%run_scoped3A : memref<!tpu.dma_semaphore, #tpu.memory_space<semaphore_mem>>)
      %dma_wait3A = arith.constant 0 : i32
      %dma_wait3A_41 = tpu.memref_slice %arg10[%add3A_23, %dma_wait3A] : memref<10112x128xf32, #tpu.memory_space<vmem_shared>> -> memref<128x128xf32, #tpu.memory_space<vmem_shared>>
      %dma_wait3A_42 = arith.constant 0 : i32
      %dma_wait3A_43 = tpu.memref_slice %arg10[%add3A_23, %dma_wait3A_42] : memref<10112x128xf32, #tpu.memory_space<vmem_shared>> -> memref<128x128xf32, #tpu.memory_space<vmem_shared>>
      tpu.wait_dma2 semaphore(%run_scoped3A : memref<!tpu.dma_semaphore, #tpu.memory_space<semaphore_mem>>) src(%dma_wait3A_43 : memref<128x128xf32, #tpu.memory_space<vmem_shared>>) dst(%arg9 : memref<128x128xf32, #tpu.memory_space<vmem>>)
      tpu.yield
    }) : () -> ()
    %add3A_24 = arith.constant 128 : i32
    %add3A_25 = arith.addi %mul3A_0, %add3A_24 : i32
    "tpu.region"() ({
      %run_scoped3A = tpu.sem_alloc : memref<!tpu.dma_semaphore, #tpu.memory_space<semaphore_mem>>
      %dma_start3A = arith.constant 0 : i32
      %dma_start3A_38 = tpu.memref_slice %arg6[%arg0, %add3A_25, %dma_start3A] : memref<2x10112x128xf32, #tpu.memory_space<hbm>> -> memref<1x128x128xf32, #tpu.memory_space<hbm>>
      %dma_start3A_39 = tpu.memref_squeeze %dma_start3A_38 : memref<1x128x128xf32, #tpu.memory_space<hbm>> -> memref<128x128xf32, #tpu.memory_space<hbm>>
      %dma_start3A_40 = arith.constant 0 : i32
      %dma_start3A_41 = tpu.memref_slice %arg6[%arg0, %add3A_25, %dma_start3A_40] : memref<2x10112x128xf32, #tpu.memory_space<hbm>> -> memref<1x128x128xf32, #tpu.memory_space<hbm>>
      %dma_start3A_42 = tpu.memref_squeeze %dma_start3A_41 : memref<1x128x128xf32, #tpu.memory_space<hbm>> -> memref<128x128xf32, #tpu.memory_space<hbm>>
      tpu.enqueue_dma source(%arg9 : memref<128x128xf32, #tpu.memory_space<vmem>>) target(%dma_start3A_42 : memref<128x128xf32, #tpu.memory_space<hbm>>) target_semaphore(%run_scoped3A : memref<!tpu.dma_semaphore, #tpu.memory_space<semaphore_mem>>)
      %dma_wait3A = arith.constant 0 : i32
      %dma_wait3A_43 = tpu.memref_slice %arg6[%arg0, %add3A_25, %dma_wait3A] : memref<2x10112x128xf32, #tpu.memory_space<hbm>> -> memref<1x128x128xf32, #tpu.memory_space<hbm>>
      %dma_wait3A_44 = tpu.memref_squeeze %dma_wait3A_43 : memref<1x128x128xf32, #tpu.memory_space<hbm>> -> memref<128x128xf32, #tpu.memory_space<hbm>>
      %dma_wait3A_45 = arith.constant 0 : i32
      %dma_wait3A_46 = tpu.memref_slice %arg6[%arg0, %add3A_25, %dma_wait3A_45] : memref<2x10112x128xf32, #tpu.memory_space<hbm>> -> memref<1x128x128xf32, #tpu.memory_space<hbm>>
      %dma_wait3A_47 = tpu.memref_squeeze %dma_wait3A_46 : memref<1x128x128xf32, #tpu.memory_space<hbm>> -> memref<128x128xf32, #tpu.memory_space<hbm>>
      tpu.wait_dma2 semaphore(%run_scoped3A : memref<!tpu.dma_semaphore, #tpu.memory_space<semaphore_mem>>) src(%arg9 : memref<128x128xf32, #tpu.memory_space<vmem>>) dst(%dma_wait3A_47 : memref<128x128xf32, #tpu.memory_space<hbm>>)
      tpu.yield
    }) : () -> ()
    %add3A_26 = arith.constant 256 : i32
    %add3A_27 = arith.addi %mul3A_0, %add3A_26 : i32
    "tpu.region"() ({
      %run_scoped3A = tpu.sem_alloc : memref<!tpu.dma_semaphore, #tpu.memory_space<semaphore_mem>>
      %dma_start3A = arith.constant 0 : i32
      %dma_start3A_38 = tpu.memref_slice %arg10[%add3A_27, %dma_start3A] : memref<10112x128xf32, #tpu.memory_space<vmem_shared>> -> memref<128x128xf32, #tpu.memory_space<vmem_shared>>
      %dma_start3A_39 = arith.constant 0 : i32
      %dma_start3A_40 = tpu.memref_slice %arg10[%add3A_27, %dma_start3A_39] : memref<10112x128xf32, #tpu.memory_space<vmem_shared>> -> memref<128x128xf32, #tpu.memory_space<vmem_shared>>
      tpu.enqueue_dma source(%dma_start3A_40 : memref<128x128xf32, #tpu.memory_space<vmem_shared>>) target(%arg9 : memref<128x128xf32, #tpu.memory_space<vmem>>) target_semaphore(%run_scoped3A : memref<!tpu.dma_semaphore, #tpu.memory_space<semaphore_mem>>)
      %dma_wait3A = arith.constant 0 : i32
      %dma_wait3A_41 = tpu.memref_slice %arg10[%add3A_27, %dma_wait3A] : memref<10112x128xf32, #tpu.memory_space<vmem_shared>> -> memref<128x128xf32, #tpu.memory_space<vmem_shared>>
      %dma_wait3A_42 = arith.constant 0 : i32
      %dma_wait3A_43 = tpu.memref_slice %arg10[%add3A_27, %dma_wait3A_42] : memref<10112x128xf32, #tpu.memory_space<vmem_shared>> -> memref<128x128xf32, #tpu.memory_space<vmem_shared>>
      tpu.wait_dma2 semaphore(%run_scoped3A : memref<!tpu.dma_semaphore, #tpu.memory_space<semaphore_mem>>) src(%dma_wait3A_43 : memref<128x128xf32, #tpu.memory_space<vmem_shared>>) dst(%arg9 : memref<128x128xf32, #tpu.memory_space<vmem>>)
      tpu.yield
    }) : () -> ()
    %add3A_28 = arith.constant 256 : i32
    %add3A_29 = arith.addi %mul3A_0, %add3A_28 : i32
    "tpu.region"() ({
      %run_scoped3A = tpu.sem_alloc : memref<!tpu.dma_semaphore, #tpu.memory_space<semaphore_mem>>
      %dma_start3A = arith.constant 0 : i32
      %dma_start3A_38 = tpu.memref_slice %arg6[%arg0, %add3A_29, %dma_start3A] : memref<2x10112x128xf32, #tpu.memory_space<hbm>> -> memref<1x128x128xf32, #tpu.memory_space<hbm>>
      %dma_start3A_39 = tpu.memref_squeeze %dma_start3A_38 : memref<1x128x128xf32, #tpu.memory_space<hbm>> -> memref<128x128xf32, #tpu.memory_space<hbm>>
      %dma_start3A_40 = arith.constant 0 : i32
      %dma_start3A_41 = tpu.memref_slice %arg6[%arg0, %add3A_29, %dma_start3A_40] : memref<2x10112x128xf32, #tpu.memory_space<hbm>> -> memref<1x128x128xf32, #tpu.memory_space<hbm>>
      %dma_start3A_42 = tpu.memref_squeeze %dma_start3A_41 : memref<1x128x128xf32, #tpu.memory_space<hbm>> -> memref<128x128xf32, #tpu.memory_space<hbm>>
      tpu.enqueue_dma source(%arg9 : memref<128x128xf32, #tpu.memory_space<vmem>>) target(%dma_start3A_42 : memref<128x128xf32, #tpu.memory_space<hbm>>) target_semaphore(%run_scoped3A : memref<!tpu.dma_semaphore, #tpu.memory_space<semaphore_mem>>)
      %dma_wait3A = arith.constant 0 : i32
      %dma_wait3A_43 = tpu.memref_slice %arg6[%arg0, %add3A_29, %dma_wait3A] : memref<2x10112x128xf32, #tpu.memory_space<hbm>> -> memref<1x128x128xf32, #tpu.memory_space<hbm>>
      %dma_wait3A_44 = tpu.memref_squeeze %dma_wait3A_43 : memref<1x128x128xf32, #tpu.memory_space<hbm>> -> memref<128x128xf32, #tpu.memory_space<hbm>>
      %dma_wait3A_45 = arith.constant 0 : i32
      %dma_wait3A_46 = tpu.memref_slice %arg6[%arg0, %add3A_29, %dma_wait3A_45] : memref<2x10112x128xf32, #tpu.memory_space<hbm>> -> memref<1x128x128xf32, #tpu.memory_space<hbm>>
      %dma_wait3A_47 = tpu.memref_squeeze %dma_wait3A_46 : memref<1x128x128xf32, #tpu.memory_space<hbm>> -> memref<128x128xf32, #tpu.memory_space<hbm>>
      tpu.wait_dma2 semaphore(%run_scoped3A : memref<!tpu.dma_semaphore, #tpu.memory_space<semaphore_mem>>) src(%arg9 : memref<128x128xf32, #tpu.memory_space<vmem>>) dst(%dma_wait3A_47 : memref<128x128xf32, #tpu.memory_space<hbm>>)
      tpu.yield
    }) : () -> ()
    %add3A_30 = arith.constant 384 : i32
    %add3A_31 = arith.addi %mul3A_0, %add3A_30 : i32
    "tpu.region"() ({
      %run_scoped3A = tpu.sem_alloc : memref<!tpu.dma_semaphore, #tpu.memory_space<semaphore_mem>>
      %dma_start3A = arith.constant 0 : i32
      %dma_start3A_38 = tpu.memref_slice %arg10[%add3A_31, %dma_start3A] : memref<10112x128xf32, #tpu.memory_space<vmem_shared>> -> memref<128x128xf32, #tpu.memory_space<vmem_shared>>
      %dma_start3A_39 = arith.constant 0 : i32
      %dma_start3A_40 = tpu.memref_slice %arg10[%add3A_31, %dma_start3A_39] : memref<10112x128xf32, #tpu.memory_space<vmem_shared>> -> memref<128x128xf32, #tpu.memory_space<vmem_shared>>
      tpu.enqueue_dma source(%dma_start3A_40 : memref<128x128xf32, #tpu.memory_space<vmem_shared>>) target(%arg9 : memref<128x128xf32, #tpu.memory_space<vmem>>) target_semaphore(%run_scoped3A : memref<!tpu.dma_semaphore, #tpu.memory_space<semaphore_mem>>)
      %dma_wait3A = arith.constant 0 : i32
      %dma_wait3A_41 = tpu.memref_slice %arg10[%add3A_31, %dma_wait3A] : memref<10112x128xf32, #tpu.memory_space<vmem_shared>> -> memref<128x128xf32, #tpu.memory_space<vmem_shared>>
      %dma_wait3A_42 = arith.constant 0 : i32
      %dma_wait3A_43 = tpu.memref_slice %arg10[%add3A_31, %dma_wait3A_42] : memref<10112x128xf32, #tpu.memory_space<vmem_shared>> -> memref<128x128xf32, #tpu.memory_space<vmem_shared>>
      tpu.wait_dma2 semaphore(%run_scoped3A : memref<!tpu.dma_semaphore, #tpu.memory_space<semaphore_mem>>) src(%dma_wait3A_43 : memref<128x128xf32, #tpu.memory_space<vmem_shared>>) dst(%arg9 : memref<128x128xf32, #tpu.memory_space<vmem>>)
      tpu.yield
    }) : () -> ()
    %add3A_32 = arith.constant 384 : i32
    %add3A_33 = arith.addi %mul3A_0, %add3A_32 : i32
    "tpu.region"() ({
      %run_scoped3A = tpu.sem_alloc : memref<!tpu.dma_semaphore, #tpu.memory_space<semaphore_mem>>
      %dma_start3A = arith.constant 0 : i32
      %dma_start3A_38 = tpu.memref_slice %arg6[%arg0, %add3A_33, %dma_start3A] : memref<2x10112x128xf32, #tpu.memory_space<hbm>> -> memref<1x128x128xf32, #tpu.memory_space<hbm>>
      %dma_start3A_39 = tpu.memref_squeeze %dma_start3A_38 : memref<1x128x128xf32, #tpu.memory_space<hbm>> -> memref<128x128xf32, #tpu.memory_space<hbm>>
      %dma_start3A_40 = arith.constant 0 : i32
      %dma_start3A_41 = tpu.memref_slice %arg6[%arg0, %add3A_33, %dma_start3A_40] : memref<2x10112x128xf32, #tpu.memory_space<hbm>> -> memref<1x128x128xf32, #tpu.memory_space<hbm>>
      %dma_start3A_42 = tpu.memref_squeeze %dma_start3A_41 : memref<1x128x128xf32, #tpu.memory_space<hbm>> -> memref<128x128xf32, #tpu.memory_space<hbm>>
      tpu.enqueue_dma source(%arg9 : memref<128x128xf32, #tpu.memory_space<vmem>>) target(%dma_start3A_42 : memref<128x128xf32, #tpu.memory_space<hbm>>) target_semaphore(%run_scoped3A : memref<!tpu.dma_semaphore, #tpu.memory_space<semaphore_mem>>)
      %dma_wait3A = arith.constant 0 : i32
      %dma_wait3A_43 = tpu.memref_slice %arg6[%arg0, %add3A_33, %dma_wait3A] : memref<2x10112x128xf32, #tpu.memory_space<hbm>> -> memref<1x128x128xf32, #tpu.memory_space<hbm>>
      %dma_wait3A_44 = tpu.memref_squeeze %dma_wait3A_43 : memref<1x128x128xf32, #tpu.memory_space<hbm>> -> memref<128x128xf32, #tpu.memory_space<hbm>>
      %dma_wait3A_45 = arith.constant 0 : i32
      %dma_wait3A_46 = tpu.memref_slice %arg6[%arg0, %add3A_33, %dma_wait3A_45] : memref<2x10112x128xf32, #tpu.memory_space<hbm>> -> memref<1x128x128xf32, #tpu.memory_space<hbm>>
      %dma_wait3A_47 = tpu.memref_squeeze %dma_wait3A_46 : memref<1x128x128xf32, #tpu.memory_space<hbm>> -> memref<128x128xf32, #tpu.memory_space<hbm>>
      tpu.wait_dma2 semaphore(%run_scoped3A : memref<!tpu.dma_semaphore, #tpu.memory_space<semaphore_mem>>) src(%arg9 : memref<128x128xf32, #tpu.memory_space<vmem>>) dst(%dma_wait3A_47 : memref<128x128xf32, #tpu.memory_space<hbm>>)
      tpu.yield
    }) : () -> ()
    %add3A_34 = arith.constant 504 : i32
    %add3A_35 = arith.addi %mul3A_0, %add3A_34 : i32
    "tpu.region"() ({
      %run_scoped3A = tpu.sem_alloc : memref<!tpu.dma_semaphore, #tpu.memory_space<semaphore_mem>>
      %dma_start3A = arith.constant 0 : i32
      %dma_start3A_38 = tpu.memref_slice %arg10[%add3A_35, %dma_start3A] : memref<10112x128xf32, #tpu.memory_space<vmem_shared>> -> memref<128x128xf32, #tpu.memory_space<vmem_shared>>
      %dma_start3A_39 = arith.constant 0 : i32
      %dma_start3A_40 = tpu.memref_slice %arg10[%add3A_35, %dma_start3A_39] : memref<10112x128xf32, #tpu.memory_space<vmem_shared>> -> memref<128x128xf32, #tpu.memory_space<vmem_shared>>
      tpu.enqueue_dma source(%dma_start3A_40 : memref<128x128xf32, #tpu.memory_space<vmem_shared>>) target(%arg9 : memref<128x128xf32, #tpu.memory_space<vmem>>) target_semaphore(%run_scoped3A : memref<!tpu.dma_semaphore, #tpu.memory_space<semaphore_mem>>)
      %dma_wait3A = arith.constant 0 : i32
      %dma_wait3A_41 = tpu.memref_slice %arg10[%add3A_35, %dma_wait3A] : memref<10112x128xf32, #tpu.memory_space<vmem_shared>> -> memref<128x128xf32, #tpu.memory_space<vmem_shared>>
      %dma_wait3A_42 = arith.constant 0 : i32
      %dma_wait3A_43 = tpu.memref_slice %arg10[%add3A_35, %dma_wait3A_42] : memref<10112x128xf32, #tpu.memory_space<vmem_shared>> -> memref<128x128xf32, #tpu.memory_space<vmem_shared>>
      tpu.wait_dma2 semaphore(%run_scoped3A : memref<!tpu.dma_semaphore, #tpu.memory_space<semaphore_mem>>) src(%dma_wait3A_43 : memref<128x128xf32, #tpu.memory_space<vmem_shared>>) dst(%arg9 : memref<128x128xf32, #tpu.memory_space<vmem>>)
      tpu.yield
    }) : () -> ()
    %add3A_36 = arith.constant 504 : i32
    %add3A_37 = arith.addi %mul3A_0, %add3A_36 : i32
    "tpu.region"() ({
      %run_scoped3A = tpu.sem_alloc : memref<!tpu.dma_semaphore, #tpu.memory_space<semaphore_mem>>
      %dma_start3A = arith.constant 0 : i32
      %dma_start3A_38 = tpu.memref_slice %arg6[%arg0, %add3A_37, %dma_start3A] : memref<2x10112x128xf32, #tpu.memory_space<hbm>> -> memref<1x128x128xf32, #tpu.memory_space<hbm>>
      %dma_start3A_39 = tpu.memref_squeeze %dma_start3A_38 : memref<1x128x128xf32, #tpu.memory_space<hbm>> -> memref<128x128xf32, #tpu.memory_space<hbm>>
      %dma_start3A_40 = arith.constant 0 : i32
      %dma_start3A_41 = tpu.memref_slice %arg6[%arg0, %add3A_37, %dma_start3A_40] : memref<2x10112x128xf32, #tpu.memory_space<hbm>> -> memref<1x128x128xf32, #tpu.memory_space<hbm>>
      %dma_start3A_42 = tpu.memref_squeeze %dma_start3A_41 : memref<1x128x128xf32, #tpu.memory_space<hbm>> -> memref<128x128xf32, #tpu.memory_space<hbm>>
      tpu.enqueue_dma source(%arg9 : memref<128x128xf32, #tpu.memory_space<vmem>>) target(%dma_start3A_42 : memref<128x128xf32, #tpu.memory_space<hbm>>) target_semaphore(%run_scoped3A : memref<!tpu.dma_semaphore, #tpu.memory_space<semaphore_mem>>)
      %dma_wait3A = arith.constant 0 : i32
      %dma_wait3A_43 = tpu.memref_slice %arg6[%arg0, %add3A_37, %dma_wait3A] : memref<2x10112x128xf32, #tpu.memory_space<hbm>> -> memref<1x128x128xf32, #tpu.memory_space<hbm>>
      %dma_wait3A_44 = tpu.memref_squeeze %dma_wait3A_43 : memref<1x128x128xf32, #tpu.memory_space<hbm>> -> memref<128x128xf32, #tpu.memory_space<hbm>>
      %dma_wait3A_45 = arith.constant 0 : i32
      %dma_wait3A_46 = tpu.memref_slice %arg6[%arg0, %add3A_37, %dma_wait3A_45] : memref<2x10112x128xf32, #tpu.memory_space<hbm>> -> memref<1x128x128xf32, #tpu.memory_space<hbm>>
      %dma_wait3A_47 = tpu.memref_squeeze %dma_wait3A_46 : memref<1x128x128xf32, #tpu.memory_space<hbm>> -> memref<128x128xf32, #tpu.memory_space<hbm>>
      tpu.wait_dma2 semaphore(%run_scoped3A : memref<!tpu.dma_semaphore, #tpu.memory_space<semaphore_mem>>) src(%arg9 : memref<128x128xf32, #tpu.memory_space<vmem>>) dst(%dma_wait3A_47 : memref<128x128xf32, #tpu.memory_space<hbm>>)
      tpu.yield
    }) : () -> ()
    return
  }
}

#map = affine_map<(d0, d1) -> (0)>
#map1 = affine_map<(d0, d1) -> (0, 0)>
module attributes {stable_mosaic.version = 14 : i64} {
  func.func @_sc_deg_body(%arg0: i32, %arg1: i32, %arg2: memref<161792xi32, #tpu.memory_space<hbm>>, %arg3: memref<128x128xf32, #tpu.memory_space<hbm>>, %arg4: memref<128x128xf32, #tpu.memory_space<hbm>>, %arg5: memref<10112x128xf32, #tpu.memory_space<hbm>>, %arg6: memref<128xi32, #tpu.memory_space<vmem>>, %arg7: memref<128x128xf32, #tpu.memory_space<vmem>>, %arg8: memref<128x128xf32, #tpu.memory_space<vmem>>, %arg9: memref<10112x128xf32, #tpu.memory_space<vmem_shared>>) attributes {dimension_semantics = [#tpu.dimension_semantics<core_parallel>, #tpu.dimension_semantics<subcore_parallel>], iteration_bounds = array<i64: 2, 16>, scalar_prefetch = 0 : i64, scratch_operands = 4 : i64, tpu.core_type = #tpu.core_type<sc_vector_subcore>, window_params = [{transform_indices = #map}, {transform_indices = #map1}, {transform_indices = #map1}, {transform_indices = #map1}]} {
    %mul3A = arith.constant 632 : i32
    %mul3A_0 = arith.muli %arg1, %mul3A : i32
    "tpu.region"() ({
      %run_scoped3A = tpu.sem_alloc : memref<!tpu.dma_semaphore, #tpu.memory_space<semaphore_mem>>
      tpu.enqueue_dma source(%arg3 : memref<128x128xf32, #tpu.memory_space<hbm>>) target(%arg7 : memref<128x128xf32, #tpu.memory_space<vmem>>) target_semaphore(%run_scoped3A : memref<!tpu.dma_semaphore, #tpu.memory_space<semaphore_mem>>)
      tpu.wait_dma2 semaphore(%run_scoped3A : memref<!tpu.dma_semaphore, #tpu.memory_space<semaphore_mem>>) src(%arg3 : memref<128x128xf32, #tpu.memory_space<hbm>>) dst(%arg7 : memref<128x128xf32, #tpu.memory_space<vmem>>)
      tpu.yield
    }) : () -> ()
    "tpu.region"() ({
      %run_scoped3A = tpu.sem_alloc : memref<!tpu.dma_semaphore, #tpu.memory_space<semaphore_mem>>
      tpu.enqueue_dma source(%arg4 : memref<128x128xf32, #tpu.memory_space<hbm>>) target(%arg8 : memref<128x128xf32, #tpu.memory_space<vmem>>) target_semaphore(%run_scoped3A : memref<!tpu.dma_semaphore, #tpu.memory_space<semaphore_mem>>)
      tpu.wait_dma2 semaphore(%run_scoped3A : memref<!tpu.dma_semaphore, #tpu.memory_space<semaphore_mem>>) src(%arg4 : memref<128x128xf32, #tpu.memory_space<hbm>>) dst(%arg8 : memref<128x128xf32, #tpu.memory_space<vmem>>)
      tpu.yield
    }) : () -> ()
    %add3A = arith.constant 0 : i32
    %add3A_1 = arith.addi %mul3A_0, %add3A : i32
    "tpu.region"() ({
      %run_scoped3A = tpu.sem_alloc : memref<!tpu.dma_semaphore, #tpu.memory_space<semaphore_mem>>
      %dma_start3A = arith.constant 0 : i32
      %dma_start3A_38 = tpu.memref_slice %arg9[%add3A_1, %dma_start3A] : memref<10112x128xf32, #tpu.memory_space<vmem_shared>> -> memref<128x128xf32, #tpu.memory_space<vmem_shared>>
      %dma_start3A_39 = arith.constant 0 : i32
      %dma_start3A_40 = tpu.memref_slice %arg9[%add3A_1, %dma_start3A_39] : memref<10112x128xf32, #tpu.memory_space<vmem_shared>> -> memref<128x128xf32, #tpu.memory_space<vmem_shared>>
      tpu.enqueue_dma source(%arg7 : memref<128x128xf32, #tpu.memory_space<vmem>>) target(%dma_start3A_40 : memref<128x128xf32, #tpu.memory_space<vmem_shared>>) target_semaphore(%run_scoped3A : memref<!tpu.dma_semaphore, #tpu.memory_space<semaphore_mem>>)
      %dma_wait3A = arith.constant 0 : i32
      %dma_wait3A_41 = tpu.memref_slice %arg9[%add3A_1, %dma_wait3A] : memref<10112x128xf32, #tpu.memory_space<vmem_shared>> -> memref<128x128xf32, #tpu.memory_space<vmem_shared>>
      %dma_wait3A_42 = arith.constant 0 : i32
      %dma_wait3A_43 = tpu.memref_slice %arg9[%add3A_1, %dma_wait3A_42] : memref<10112x128xf32, #tpu.memory_space<vmem_shared>> -> memref<128x128xf32, #tpu.memory_space<vmem_shared>>
      tpu.wait_dma2 semaphore(%run_scoped3A : memref<!tpu.dma_semaphore, #tpu.memory_space<semaphore_mem>>) src(%arg7 : memref<128x128xf32, #tpu.memory_space<vmem>>) dst(%dma_wait3A_43 : memref<128x128xf32, #tpu.memory_space<vmem_shared>>)
      tpu.yield
    }) : () -> ()
    %add3A_2 = arith.constant 128 : i32
    %add3A_3 = arith.addi %mul3A_0, %add3A_2 : i32
    "tpu.region"() ({
      %run_scoped3A = tpu.sem_alloc : memref<!tpu.dma_semaphore, #tpu.memory_space<semaphore_mem>>
      %dma_start3A = arith.constant 0 : i32
      %dma_start3A_38 = tpu.memref_slice %arg9[%add3A_3, %dma_start3A] : memref<10112x128xf32, #tpu.memory_space<vmem_shared>> -> memref<128x128xf32, #tpu.memory_space<vmem_shared>>
      %dma_start3A_39 = arith.constant 0 : i32
      %dma_start3A_40 = tpu.memref_slice %arg9[%add3A_3, %dma_start3A_39] : memref<10112x128xf32, #tpu.memory_space<vmem_shared>> -> memref<128x128xf32, #tpu.memory_space<vmem_shared>>
      tpu.enqueue_dma source(%arg7 : memref<128x128xf32, #tpu.memory_space<vmem>>) target(%dma_start3A_40 : memref<128x128xf32, #tpu.memory_space<vmem_shared>>) target_semaphore(%run_scoped3A : memref<!tpu.dma_semaphore, #tpu.memory_space<semaphore_mem>>)
      %dma_wait3A = arith.constant 0 : i32
      %dma_wait3A_41 = tpu.memref_slice %arg9[%add3A_3, %dma_wait3A] : memref<10112x128xf32, #tpu.memory_space<vmem_shared>> -> memref<128x128xf32, #tpu.memory_space<vmem_shared>>
      %dma_wait3A_42 = arith.constant 0 : i32
      %dma_wait3A_43 = tpu.memref_slice %arg9[%add3A_3, %dma_wait3A_42] : memref<10112x128xf32, #tpu.memory_space<vmem_shared>> -> memref<128x128xf32, #tpu.memory_space<vmem_shared>>
      tpu.wait_dma2 semaphore(%run_scoped3A : memref<!tpu.dma_semaphore, #tpu.memory_space<semaphore_mem>>) src(%arg7 : memref<128x128xf32, #tpu.memory_space<vmem>>) dst(%dma_wait3A_43 : memref<128x128xf32, #tpu.memory_space<vmem_shared>>)
      tpu.yield
    }) : () -> ()
    %add3A_4 = arith.constant 256 : i32
    %add3A_5 = arith.addi %mul3A_0, %add3A_4 : i32
    "tpu.region"() ({
      %run_scoped3A = tpu.sem_alloc : memref<!tpu.dma_semaphore, #tpu.memory_space<semaphore_mem>>
      %dma_start3A = arith.constant 0 : i32
      %dma_start3A_38 = tpu.memref_slice %arg9[%add3A_5, %dma_start3A] : memref<10112x128xf32, #tpu.memory_space<vmem_shared>> -> memref<128x128xf32, #tpu.memory_space<vmem_shared>>
      %dma_start3A_39 = arith.constant 0 : i32
      %dma_start3A_40 = tpu.memref_slice %arg9[%add3A_5, %dma_start3A_39] : memref<10112x128xf32, #tpu.memory_space<vmem_shared>> -> memref<128x128xf32, #tpu.memory_space<vmem_shared>>
      tpu.enqueue_dma source(%arg7 : memref<128x128xf32, #tpu.memory_space<vmem>>) target(%dma_start3A_40 : memref<128x128xf32, #tpu.memory_space<vmem_shared>>) target_semaphore(%run_scoped3A : memref<!tpu.dma_semaphore, #tpu.memory_space<semaphore_mem>>)
      %dma_wait3A = arith.constant 0 : i32
      %dma_wait3A_41 = tpu.memref_slice %arg9[%add3A_5, %dma_wait3A] : memref<10112x128xf32, #tpu.memory_space<vmem_shared>> -> memref<128x128xf32, #tpu.memory_space<vmem_shared>>
      %dma_wait3A_42 = arith.constant 0 : i32
      %dma_wait3A_43 = tpu.memref_slice %arg9[%add3A_5, %dma_wait3A_42] : memref<10112x128xf32, #tpu.memory_space<vmem_shared>> -> memref<128x128xf32, #tpu.memory_space<vmem_shared>>
      tpu.wait_dma2 semaphore(%run_scoped3A : memref<!tpu.dma_semaphore, #tpu.memory_space<semaphore_mem>>) src(%arg7 : memref<128x128xf32, #tpu.memory_space<vmem>>) dst(%dma_wait3A_43 : memref<128x128xf32, #tpu.memory_space<vmem_shared>>)
      tpu.yield
    }) : () -> ()
    %add3A_6 = arith.constant 384 : i32
    %add3A_7 = arith.addi %mul3A_0, %add3A_6 : i32
    "tpu.region"() ({
      %run_scoped3A = tpu.sem_alloc : memref<!tpu.dma_semaphore, #tpu.memory_space<semaphore_mem>>
      %dma_start3A = arith.constant 0 : i32
      %dma_start3A_38 = tpu.memref_slice %arg9[%add3A_7, %dma_start3A] : memref<10112x128xf32, #tpu.memory_space<vmem_shared>> -> memref<128x128xf32, #tpu.memory_space<vmem_shared>>
      %dma_start3A_39 = arith.constant 0 : i32
      %dma_start3A_40 = tpu.memref_slice %arg9[%add3A_7, %dma_start3A_39] : memref<10112x128xf32, #tpu.memory_space<vmem_shared>> -> memref<128x128xf32, #tpu.memory_space<vmem_shared>>
      tpu.enqueue_dma source(%arg7 : memref<128x128xf32, #tpu.memory_space<vmem>>) target(%dma_start3A_40 : memref<128x128xf32, #tpu.memory_space<vmem_shared>>) target_semaphore(%run_scoped3A : memref<!tpu.dma_semaphore, #tpu.memory_space<semaphore_mem>>)
      %dma_wait3A = arith.constant 0 : i32
      %dma_wait3A_41 = tpu.memref_slice %arg9[%add3A_7, %dma_wait3A] : memref<10112x128xf32, #tpu.memory_space<vmem_shared>> -> memref<128x128xf32, #tpu.memory_space<vmem_shared>>
      %dma_wait3A_42 = arith.constant 0 : i32
      %dma_wait3A_43 = tpu.memref_slice %arg9[%add3A_7, %dma_wait3A_42] : memref<10112x128xf32, #tpu.memory_space<vmem_shared>> -> memref<128x128xf32, #tpu.memory_space<vmem_shared>>
      tpu.wait_dma2 semaphore(%run_scoped3A : memref<!tpu.dma_semaphore, #tpu.memory_space<semaphore_mem>>) src(%arg7 : memref<128x128xf32, #tpu.memory_space<vmem>>) dst(%dma_wait3A_43 : memref<128x128xf32, #tpu.memory_space<vmem_shared>>)
      tpu.yield
    }) : () -> ()
    %add3A_8 = arith.constant 504 : i32
    %add3A_9 = arith.addi %mul3A_0, %add3A_8 : i32
    "tpu.region"() ({
      %run_scoped3A = tpu.sem_alloc : memref<!tpu.dma_semaphore, #tpu.memory_space<semaphore_mem>>
      %dma_start3A = arith.constant 0 : i32
      %dma_start3A_38 = tpu.memref_slice %arg9[%add3A_9, %dma_start3A] : memref<10112x128xf32, #tpu.memory_space<vmem_shared>> -> memref<128x128xf32, #tpu.memory_space<vmem_shared>>
      %dma_start3A_39 = arith.constant 0 : i32
      %dma_start3A_40 = tpu.memref_slice %arg9[%add3A_9, %dma_start3A_39] : memref<10112x128xf32, #tpu.memory_space<vmem_shared>> -> memref<128x128xf32, #tpu.memory_space<vmem_shared>>
      tpu.enqueue_dma source(%arg7 : memref<128x128xf32, #tpu.memory_space<vmem>>) target(%dma_start3A_40 : memref<128x128xf32, #tpu.memory_space<vmem_shared>>) target_semaphore(%run_scoped3A : memref<!tpu.dma_semaphore, #tpu.memory_space<semaphore_mem>>)
      %dma_wait3A = arith.constant 0 : i32
      %dma_wait3A_41 = tpu.memref_slice %arg9[%add3A_9, %dma_wait3A] : memref<10112x128xf32, #tpu.memory_space<vmem_shared>> -> memref<128x128xf32, #tpu.memory_space<vmem_shared>>
      %dma_wait3A_42 = arith.constant 0 : i32
      %dma_wait3A_43 = tpu.memref_slice %arg9[%add3A_9, %dma_wait3A_42] : memref<10112x128xf32, #tpu.memory_space<vmem_shared>> -> memref<128x128xf32, #tpu.memory_space<vmem_shared>>
      tpu.wait_dma2 semaphore(%run_scoped3A : memref<!tpu.dma_semaphore, #tpu.memory_space<semaphore_mem>>) src(%arg7 : memref<128x128xf32, #tpu.memory_space<vmem>>) dst(%dma_wait3A_43 : memref<128x128xf32, #tpu.memory_space<vmem_shared>>)
      tpu.yield
    }) : () -> ()
    %barrier3A = arith.constant 0 : index
    tpu.barrier barrier_id(%barrier3A)
    %mul3A_10 = arith.constant 10112 : i32
    %mul3A_11 = arith.muli %arg1, %mul3A_10 : i32
    %scan3A = arith.constant 0 : i32
    %scan3A_12 = arith.constant 0 : i32
    %scan3A_13 = arith.constant 79 : i32
    %scan3A_14 = arith.addi %scan3A_12, %scan3A_13 : i32
    %scan3A_15 = arith.constant 1 : i32
    scf.for %scan3A_38 = %scan3A_12 to %scan3A_14 step %scan3A_15  : i32 {
      %mul3A_39 = arith.constant 128 : i32
      %mul3A_40 = arith.muli %scan3A_38, %mul3A_39 : i32
      %add3A_41 = arith.addi %mul3A_11, %mul3A_40 : i32
      "tpu.region"() ({
        %run_scoped3A = tpu.sem_alloc : memref<!tpu.dma_semaphore, #tpu.memory_space<semaphore_mem>>
        %dma_start3A = tpu.memref_slice %arg2[%add3A_41] : memref<161792xi32, #tpu.memory_space<hbm>> -> memref<128xi32, #tpu.memory_space<hbm>>
        %dma_start3A_42 = tpu.memref_slice %arg2[%add3A_41] : memref<161792xi32, #tpu.memory_space<hbm>> -> memref<128xi32, #tpu.memory_space<hbm>>
        tpu.enqueue_dma source(%dma_start3A_42 : memref<128xi32, #tpu.memory_space<hbm>>) target(%arg6 : memref<128xi32, #tpu.memory_space<vmem>>) target_semaphore(%run_scoped3A : memref<!tpu.dma_semaphore, #tpu.memory_space<semaphore_mem>>)
        %dma_wait3A = tpu.memref_slice %arg2[%add3A_41] : memref<161792xi32, #tpu.memory_space<hbm>> -> memref<128xi32, #tpu.memory_space<hbm>>
        %dma_wait3A_43 = tpu.memref_slice %arg2[%add3A_41] : memref<161792xi32, #tpu.memory_space<hbm>> -> memref<128xi32, #tpu.memory_space<hbm>>
        tpu.wait_dma2 semaphore(%run_scoped3A : memref<!tpu.dma_semaphore, #tpu.memory_space<semaphore_mem>>) src(%dma_wait3A_43 : memref<128xi32, #tpu.memory_space<hbm>>) dst(%arg6 : memref<128xi32, #tpu.memory_space<vmem>>)
        tpu.yield
      }) : () -> ()
      "tpu.region"() ({
        %run_scoped3A = tpu.sem_alloc : memref<!tpu.dma_semaphore, #tpu.memory_space<semaphore_mem>>
        %dma_start3A = arith.constant 0 : i32
        %dma_start3A_42 = arith.constant 0 : i32
        %dma_start3A_43 = tpu.memref_slice %arg9[%dma_start3A, %dma_start3A_42] : memref<10112x128xf32, #tpu.memory_space<vmem_shared>> -> memref<10112x128xf32, #tpu.memory_space<vmem_shared>>
        tpu.enqueue_indirect_dma source(%arg8 : memref<128x128xf32, #tpu.memory_space<vmem>>) target(%dma_start3A_43 : memref<10112x128xf32, #tpu.memory_space<vmem_shared>>) offsets(%arg6 : memref<128xi32, #tpu.memory_space<vmem>>) semaphore(%run_scoped3A : memref<!tpu.dma_semaphore, #tpu.memory_space<semaphore_mem>>) {add = true}
        %dma_wait3A = arith.constant 0 : i32
        %dma_wait3A_44 = arith.constant 0 : i32
        %dma_wait3A_45 = tpu.memref_slice %arg9[%dma_wait3A, %dma_wait3A_44] : memref<10112x128xf32, #tpu.memory_space<vmem_shared>> -> memref<10112x128xf32, #tpu.memory_space<vmem_shared>>
        tpu.wait_indirect_dma semaphore(%run_scoped3A : memref<!tpu.dma_semaphore, #tpu.memory_space<semaphore_mem>>) src(%arg8 : memref<128x128xf32, #tpu.memory_space<vmem>>) dst(%dma_wait3A_45 : memref<10112x128xf32, #tpu.memory_space<vmem_shared>>)
        tpu.yield
      }) : () -> ()
    }
    %scan3A_16 = arith.constant 79 : i32
    %barrier3A_17 = arith.constant 0 : index
    tpu.barrier barrier_id(%barrier3A_17)
    %add3A_18 = arith.constant 0 : i32
    %add3A_19 = arith.addi %mul3A_0, %add3A_18 : i32
    "tpu.region"() ({
      %run_scoped3A = tpu.sem_alloc : memref<!tpu.dma_semaphore, #tpu.memory_space<semaphore_mem>>
      %dma_start3A = arith.constant 0 : i32
      %dma_start3A_38 = tpu.memref_slice %arg9[%add3A_19, %dma_start3A] : memref<10112x128xf32, #tpu.memory_space<vmem_shared>> -> memref<128x128xf32, #tpu.memory_space<vmem_shared>>
      %dma_start3A_39 = arith.constant 0 : i32
      %dma_start3A_40 = tpu.memref_slice %arg9[%add3A_19, %dma_start3A_39] : memref<10112x128xf32, #tpu.memory_space<vmem_shared>> -> memref<128x128xf32, #tpu.memory_space<vmem_shared>>
      tpu.enqueue_dma source(%dma_start3A_40 : memref<128x128xf32, #tpu.memory_space<vmem_shared>>) target(%arg7 : memref<128x128xf32, #tpu.memory_space<vmem>>) target_semaphore(%run_scoped3A : memref<!tpu.dma_semaphore, #tpu.memory_space<semaphore_mem>>)
      %dma_wait3A = arith.constant 0 : i32
      %dma_wait3A_41 = tpu.memref_slice %arg9[%add3A_19, %dma_wait3A] : memref<10112x128xf32, #tpu.memory_space<vmem_shared>> -> memref<128x128xf32, #tpu.memory_space<vmem_shared>>
      %dma_wait3A_42 = arith.constant 0 : i32
      %dma_wait3A_43 = tpu.memref_slice %arg9[%add3A_19, %dma_wait3A_42] : memref<10112x128xf32, #tpu.memory_space<vmem_shared>> -> memref<128x128xf32, #tpu.memory_space<vmem_shared>>
      tpu.wait_dma2 semaphore(%run_scoped3A : memref<!tpu.dma_semaphore, #tpu.memory_space<semaphore_mem>>) src(%dma_wait3A_43 : memref<128x128xf32, #tpu.memory_space<vmem_shared>>) dst(%arg7 : memref<128x128xf32, #tpu.memory_space<vmem>>)
      tpu.yield
    }) : () -> ()
    %add3A_20 = arith.constant 0 : i32
    %add3A_21 = arith.addi %mul3A_0, %add3A_20 : i32
    "tpu.region"() ({
      %run_scoped3A = tpu.sem_alloc : memref<!tpu.dma_semaphore, #tpu.memory_space<semaphore_mem>>
      %dma_start3A = arith.constant 0 : i32
      %dma_start3A_38 = tpu.memref_slice %arg5[%add3A_21, %dma_start3A] : memref<10112x128xf32, #tpu.memory_space<hbm>> -> memref<128x128xf32, #tpu.memory_space<hbm>>
      %dma_start3A_39 = arith.constant 0 : i32
      %dma_start3A_40 = tpu.memref_slice %arg5[%add3A_21, %dma_start3A_39] : memref<10112x128xf32, #tpu.memory_space<hbm>> -> memref<128x128xf32, #tpu.memory_space<hbm>>
      tpu.enqueue_dma source(%arg7 : memref<128x128xf32, #tpu.memory_space<vmem>>) target(%dma_start3A_40 : memref<128x128xf32, #tpu.memory_space<hbm>>) target_semaphore(%run_scoped3A : memref<!tpu.dma_semaphore, #tpu.memory_space<semaphore_mem>>)
      %dma_wait3A = arith.constant 0 : i32
      %dma_wait3A_41 = tpu.memref_slice %arg5[%add3A_21, %dma_wait3A] : memref<10112x128xf32, #tpu.memory_space<hbm>> -> memref<128x128xf32, #tpu.memory_space<hbm>>
      %dma_wait3A_42 = arith.constant 0 : i32
      %dma_wait3A_43 = tpu.memref_slice %arg5[%add3A_21, %dma_wait3A_42] : memref<10112x128xf32, #tpu.memory_space<hbm>> -> memref<128x128xf32, #tpu.memory_space<hbm>>
      tpu.wait_dma2 semaphore(%run_scoped3A : memref<!tpu.dma_semaphore, #tpu.memory_space<semaphore_mem>>) src(%arg7 : memref<128x128xf32, #tpu.memory_space<vmem>>) dst(%dma_wait3A_43 : memref<128x128xf32, #tpu.memory_space<hbm>>)
      tpu.yield
    }) : () -> ()
    %add3A_22 = arith.constant 128 : i32
    %add3A_23 = arith.addi %mul3A_0, %add3A_22 : i32
    "tpu.region"() ({
      %run_scoped3A = tpu.sem_alloc : memref<!tpu.dma_semaphore, #tpu.memory_space<semaphore_mem>>
      %dma_start3A = arith.constant 0 : i32
      %dma_start3A_38 = tpu.memref_slice %arg9[%add3A_23, %dma_start3A] : memref<10112x128xf32, #tpu.memory_space<vmem_shared>> -> memref<128x128xf32, #tpu.memory_space<vmem_shared>>
      %dma_start3A_39 = arith.constant 0 : i32
      %dma_start3A_40 = tpu.memref_slice %arg9[%add3A_23, %dma_start3A_39] : memref<10112x128xf32, #tpu.memory_space<vmem_shared>> -> memref<128x128xf32, #tpu.memory_space<vmem_shared>>
      tpu.enqueue_dma source(%dma_start3A_40 : memref<128x128xf32, #tpu.memory_space<vmem_shared>>) target(%arg7 : memref<128x128xf32, #tpu.memory_space<vmem>>) target_semaphore(%run_scoped3A : memref<!tpu.dma_semaphore, #tpu.memory_space<semaphore_mem>>)
      %dma_wait3A = arith.constant 0 : i32
      %dma_wait3A_41 = tpu.memref_slice %arg9[%add3A_23, %dma_wait3A] : memref<10112x128xf32, #tpu.memory_space<vmem_shared>> -> memref<128x128xf32, #tpu.memory_space<vmem_shared>>
      %dma_wait3A_42 = arith.constant 0 : i32
      %dma_wait3A_43 = tpu.memref_slice %arg9[%add3A_23, %dma_wait3A_42] : memref<10112x128xf32, #tpu.memory_space<vmem_shared>> -> memref<128x128xf32, #tpu.memory_space<vmem_shared>>
      tpu.wait_dma2 semaphore(%run_scoped3A : memref<!tpu.dma_semaphore, #tpu.memory_space<semaphore_mem>>) src(%dma_wait3A_43 : memref<128x128xf32, #tpu.memory_space<vmem_shared>>) dst(%arg7 : memref<128x128xf32, #tpu.memory_space<vmem>>)
      tpu.yield
    }) : () -> ()
    %add3A_24 = arith.constant 128 : i32
    %add3A_25 = arith.addi %mul3A_0, %add3A_24 : i32
    "tpu.region"() ({
      %run_scoped3A = tpu.sem_alloc : memref<!tpu.dma_semaphore, #tpu.memory_space<semaphore_mem>>
      %dma_start3A = arith.constant 0 : i32
      %dma_start3A_38 = tpu.memref_slice %arg5[%add3A_25, %dma_start3A] : memref<10112x128xf32, #tpu.memory_space<hbm>> -> memref<128x128xf32, #tpu.memory_space<hbm>>
      %dma_start3A_39 = arith.constant 0 : i32
      %dma_start3A_40 = tpu.memref_slice %arg5[%add3A_25, %dma_start3A_39] : memref<10112x128xf32, #tpu.memory_space<hbm>> -> memref<128x128xf32, #tpu.memory_space<hbm>>
      tpu.enqueue_dma source(%arg7 : memref<128x128xf32, #tpu.memory_space<vmem>>) target(%dma_start3A_40 : memref<128x128xf32, #tpu.memory_space<hbm>>) target_semaphore(%run_scoped3A : memref<!tpu.dma_semaphore, #tpu.memory_space<semaphore_mem>>)
      %dma_wait3A = arith.constant 0 : i32
      %dma_wait3A_41 = tpu.memref_slice %arg5[%add3A_25, %dma_wait3A] : memref<10112x128xf32, #tpu.memory_space<hbm>> -> memref<128x128xf32, #tpu.memory_space<hbm>>
      %dma_wait3A_42 = arith.constant 0 : i32
      %dma_wait3A_43 = tpu.memref_slice %arg5[%add3A_25, %dma_wait3A_42] : memref<10112x128xf32, #tpu.memory_space<hbm>> -> memref<128x128xf32, #tpu.memory_space<hbm>>
      tpu.wait_dma2 semaphore(%run_scoped3A : memref<!tpu.dma_semaphore, #tpu.memory_space<semaphore_mem>>) src(%arg7 : memref<128x128xf32, #tpu.memory_space<vmem>>) dst(%dma_wait3A_43 : memref<128x128xf32, #tpu.memory_space<hbm>>)
      tpu.yield
    }) : () -> ()
    %add3A_26 = arith.constant 256 : i32
    %add3A_27 = arith.addi %mul3A_0, %add3A_26 : i32
    "tpu.region"() ({
      %run_scoped3A = tpu.sem_alloc : memref<!tpu.dma_semaphore, #tpu.memory_space<semaphore_mem>>
      %dma_start3A = arith.constant 0 : i32
      %dma_start3A_38 = tpu.memref_slice %arg9[%add3A_27, %dma_start3A] : memref<10112x128xf32, #tpu.memory_space<vmem_shared>> -> memref<128x128xf32, #tpu.memory_space<vmem_shared>>
      %dma_start3A_39 = arith.constant 0 : i32
      %dma_start3A_40 = tpu.memref_slice %arg9[%add3A_27, %dma_start3A_39] : memref<10112x128xf32, #tpu.memory_space<vmem_shared>> -> memref<128x128xf32, #tpu.memory_space<vmem_shared>>
      tpu.enqueue_dma source(%dma_start3A_40 : memref<128x128xf32, #tpu.memory_space<vmem_shared>>) target(%arg7 : memref<128x128xf32, #tpu.memory_space<vmem>>) target_semaphore(%run_scoped3A : memref<!tpu.dma_semaphore, #tpu.memory_space<semaphore_mem>>)
      %dma_wait3A = arith.constant 0 : i32
      %dma_wait3A_41 = tpu.memref_slice %arg9[%add3A_27, %dma_wait3A] : memref<10112x128xf32, #tpu.memory_space<vmem_shared>> -> memref<128x128xf32, #tpu.memory_space<vmem_shared>>
      %dma_wait3A_42 = arith.constant 0 : i32
      %dma_wait3A_43 = tpu.memref_slice %arg9[%add3A_27, %dma_wait3A_42] : memref<10112x128xf32, #tpu.memory_space<vmem_shared>> -> memref<128x128xf32, #tpu.memory_space<vmem_shared>>
      tpu.wait_dma2 semaphore(%run_scoped3A : memref<!tpu.dma_semaphore, #tpu.memory_space<semaphore_mem>>) src(%dma_wait3A_43 : memref<128x128xf32, #tpu.memory_space<vmem_shared>>) dst(%arg7 : memref<128x128xf32, #tpu.memory_space<vmem>>)
      tpu.yield
    }) : () -> ()
    %add3A_28 = arith.constant 256 : i32
    %add3A_29 = arith.addi %mul3A_0, %add3A_28 : i32
    "tpu.region"() ({
      %run_scoped3A = tpu.sem_alloc : memref<!tpu.dma_semaphore, #tpu.memory_space<semaphore_mem>>
      %dma_start3A = arith.constant 0 : i32
      %dma_start3A_38 = tpu.memref_slice %arg5[%add3A_29, %dma_start3A] : memref<10112x128xf32, #tpu.memory_space<hbm>> -> memref<128x128xf32, #tpu.memory_space<hbm>>
      %dma_start3A_39 = arith.constant 0 : i32
      %dma_start3A_40 = tpu.memref_slice %arg5[%add3A_29, %dma_start3A_39] : memref<10112x128xf32, #tpu.memory_space<hbm>> -> memref<128x128xf32, #tpu.memory_space<hbm>>
      tpu.enqueue_dma source(%arg7 : memref<128x128xf32, #tpu.memory_space<vmem>>) target(%dma_start3A_40 : memref<128x128xf32, #tpu.memory_space<hbm>>) target_semaphore(%run_scoped3A : memref<!tpu.dma_semaphore, #tpu.memory_space<semaphore_mem>>)
      %dma_wait3A = arith.constant 0 : i32
      %dma_wait3A_41 = tpu.memref_slice %arg5[%add3A_29, %dma_wait3A] : memref<10112x128xf32, #tpu.memory_space<hbm>> -> memref<128x128xf32, #tpu.memory_space<hbm>>
      %dma_wait3A_42 = arith.constant 0 : i32
      %dma_wait3A_43 = tpu.memref_slice %arg5[%add3A_29, %dma_wait3A_42] : memref<10112x128xf32, #tpu.memory_space<hbm>> -> memref<128x128xf32, #tpu.memory_space<hbm>>
      tpu.wait_dma2 semaphore(%run_scoped3A : memref<!tpu.dma_semaphore, #tpu.memory_space<semaphore_mem>>) src(%arg7 : memref<128x128xf32, #tpu.memory_space<vmem>>) dst(%dma_wait3A_43 : memref<128x128xf32, #tpu.memory_space<hbm>>)
      tpu.yield
    }) : () -> ()
    %add3A_30 = arith.constant 384 : i32
    %add3A_31 = arith.addi %mul3A_0, %add3A_30 : i32
    "tpu.region"() ({
      %run_scoped3A = tpu.sem_alloc : memref<!tpu.dma_semaphore, #tpu.memory_space<semaphore_mem>>
      %dma_start3A = arith.constant 0 : i32
      %dma_start3A_38 = tpu.memref_slice %arg9[%add3A_31, %dma_start3A] : memref<10112x128xf32, #tpu.memory_space<vmem_shared>> -> memref<128x128xf32, #tpu.memory_space<vmem_shared>>
      %dma_start3A_39 = arith.constant 0 : i32
      %dma_start3A_40 = tpu.memref_slice %arg9[%add3A_31, %dma_start3A_39] : memref<10112x128xf32, #tpu.memory_space<vmem_shared>> -> memref<128x128xf32, #tpu.memory_space<vmem_shared>>
      tpu.enqueue_dma source(%dma_start3A_40 : memref<128x128xf32, #tpu.memory_space<vmem_shared>>) target(%arg7 : memref<128x128xf32, #tpu.memory_space<vmem>>) target_semaphore(%run_scoped3A : memref<!tpu.dma_semaphore, #tpu.memory_space<semaphore_mem>>)
      %dma_wait3A = arith.constant 0 : i32
      %dma_wait3A_41 = tpu.memref_slice %arg9[%add3A_31, %dma_wait3A] : memref<10112x128xf32, #tpu.memory_space<vmem_shared>> -> memref<128x128xf32, #tpu.memory_space<vmem_shared>>
      %dma_wait3A_42 = arith.constant 0 : i32
      %dma_wait3A_43 = tpu.memref_slice %arg9[%add3A_31, %dma_wait3A_42] : memref<10112x128xf32, #tpu.memory_space<vmem_shared>> -> memref<128x128xf32, #tpu.memory_space<vmem_shared>>
      tpu.wait_dma2 semaphore(%run_scoped3A : memref<!tpu.dma_semaphore, #tpu.memory_space<semaphore_mem>>) src(%dma_wait3A_43 : memref<128x128xf32, #tpu.memory_space<vmem_shared>>) dst(%arg7 : memref<128x128xf32, #tpu.memory_space<vmem>>)
      tpu.yield
    }) : () -> ()
    %add3A_32 = arith.constant 384 : i32
    %add3A_33 = arith.addi %mul3A_0, %add3A_32 : i32
    "tpu.region"() ({
      %run_scoped3A = tpu.sem_alloc : memref<!tpu.dma_semaphore, #tpu.memory_space<semaphore_mem>>
      %dma_start3A = arith.constant 0 : i32
      %dma_start3A_38 = tpu.memref_slice %arg5[%add3A_33, %dma_start3A] : memref<10112x128xf32, #tpu.memory_space<hbm>> -> memref<128x128xf32, #tpu.memory_space<hbm>>
      %dma_start3A_39 = arith.constant 0 : i32
      %dma_start3A_40 = tpu.memref_slice %arg5[%add3A_33, %dma_start3A_39] : memref<10112x128xf32, #tpu.memory_space<hbm>> -> memref<128x128xf32, #tpu.memory_space<hbm>>
      tpu.enqueue_dma source(%arg7 : memref<128x128xf32, #tpu.memory_space<vmem>>) target(%dma_start3A_40 : memref<128x128xf32, #tpu.memory_space<hbm>>) target_semaphore(%run_scoped3A : memref<!tpu.dma_semaphore, #tpu.memory_space<semaphore_mem>>)
      %dma_wait3A = arith.constant 0 : i32
      %dma_wait3A_41 = tpu.memref_slice %arg5[%add3A_33, %dma_wait3A] : memref<10112x128xf32, #tpu.memory_space<hbm>> -> memref<128x128xf32, #tpu.memory_space<hbm>>
      %dma_wait3A_42 = arith.constant 0 : i32
      %dma_wait3A_43 = tpu.memref_slice %arg5[%add3A_33, %dma_wait3A_42] : memref<10112x128xf32, #tpu.memory_space<hbm>> -> memref<128x128xf32, #tpu.memory_space<hbm>>
      tpu.wait_dma2 semaphore(%run_scoped3A : memref<!tpu.dma_semaphore, #tpu.memory_space<semaphore_mem>>) src(%arg7 : memref<128x128xf32, #tpu.memory_space<vmem>>) dst(%dma_wait3A_43 : memref<128x128xf32, #tpu.memory_space<hbm>>)
      tpu.yield
    }) : () -> ()
    %add3A_34 = arith.constant 504 : i32
    %add3A_35 = arith.addi %mul3A_0, %add3A_34 : i32
    "tpu.region"() ({
      %run_scoped3A = tpu.sem_alloc : memref<!tpu.dma_semaphore, #tpu.memory_space<semaphore_mem>>
      %dma_start3A = arith.constant 0 : i32
      %dma_start3A_38 = tpu.memref_slice %arg9[%add3A_35, %dma_start3A] : memref<10112x128xf32, #tpu.memory_space<vmem_shared>> -> memref<128x128xf32, #tpu.memory_space<vmem_shared>>
      %dma_start3A_39 = arith.constant 0 : i32
      %dma_start3A_40 = tpu.memref_slice %arg9[%add3A_35, %dma_start3A_39] : memref<10112x128xf32, #tpu.memory_space<vmem_shared>> -> memref<128x128xf32, #tpu.memory_space<vmem_shared>>
      tpu.enqueue_dma source(%dma_start3A_40 : memref<128x128xf32, #tpu.memory_space<vmem_shared>>) target(%arg7 : memref<128x128xf32, #tpu.memory_space<vmem>>) target_semaphore(%run_scoped3A : memref<!tpu.dma_semaphore, #tpu.memory_space<semaphore_mem>>)
      %dma_wait3A = arith.constant 0 : i32
      %dma_wait3A_41 = tpu.memref_slice %arg9[%add3A_35, %dma_wait3A] : memref<10112x128xf32, #tpu.memory_space<vmem_shared>> -> memref<128x128xf32, #tpu.memory_space<vmem_shared>>
      %dma_wait3A_42 = arith.constant 0 : i32
      %dma_wait3A_43 = tpu.memref_slice %arg9[%add3A_35, %dma_wait3A_42] : memref<10112x128xf32, #tpu.memory_space<vmem_shared>> -> memref<128x128xf32, #tpu.memory_space<vmem_shared>>
      tpu.wait_dma2 semaphore(%run_scoped3A : memref<!tpu.dma_semaphore, #tpu.memory_space<semaphore_mem>>) src(%dma_wait3A_43 : memref<128x128xf32, #tpu.memory_space<vmem_shared>>) dst(%arg7 : memref<128x128xf32, #tpu.memory_space<vmem>>)
      tpu.yield
    }) : () -> ()
    %add3A_36 = arith.constant 504 : i32
    %add3A_37 = arith.addi %mul3A_0, %add3A_36 : i32
    "tpu.region"() ({
      %run_scoped3A = tpu.sem_alloc : memref<!tpu.dma_semaphore, #tpu.memory_space<semaphore_mem>>
      %dma_start3A = arith.constant 0 : i32
      %dma_start3A_38 = tpu.memref_slice %arg5[%add3A_37, %dma_start3A] : memref<10112x128xf32, #tpu.memory_space<hbm>> -> memref<128x128xf32, #tpu.memory_space<hbm>>
      %dma_start3A_39 = arith.constant 0 : i32
      %dma_start3A_40 = tpu.memref_slice %arg5[%add3A_37, %dma_start3A_39] : memref<10112x128xf32, #tpu.memory_space<hbm>> -> memref<128x128xf32, #tpu.memory_space<hbm>>
      tpu.enqueue_dma source(%arg7 : memref<128x128xf32, #tpu.memory_space<vmem>>) target(%dma_start3A_40 : memref<128x128xf32, #tpu.memory_space<hbm>>) target_semaphore(%run_scoped3A : memref<!tpu.dma_semaphore, #tpu.memory_space<semaphore_mem>>)
      %dma_wait3A = arith.constant 0 : i32
      %dma_wait3A_41 = tpu.memref_slice %arg5[%add3A_37, %dma_wait3A] : memref<10112x128xf32, #tpu.memory_space<hbm>> -> memref<128x128xf32, #tpu.memory_space<hbm>>
      %dma_wait3A_42 = arith.constant 0 : i32
      %dma_wait3A_43 = tpu.memref_slice %arg5[%add3A_37, %dma_wait3A_42] : memref<10112x128xf32, #tpu.memory_space<hbm>> -> memref<128x128xf32, #tpu.memory_space<hbm>>
      tpu.wait_dma2 semaphore(%run_scoped3A : memref<!tpu.dma_semaphore, #tpu.memory_space<semaphore_mem>>) src(%arg7 : memref<128x128xf32, #tpu.memory_space<vmem>>) dst(%dma_wait3A_43 : memref<128x128xf32, #tpu.memory_space<hbm>>)
      tpu.yield
    }) : () -> ()
    return
  }
}

module attributes {stable_mosaic.version = 14 : i64} {
  func.func @_tc_body(%arg0: i32, %arg1: memref<1x512x128xf32, #tpu.memory_space<vmem>>, %arg2: memref<1x512x128xf32, #tpu.memory_space<vmem>>, %arg3: memref<512x128xf32, #tpu.memory_space<vmem>>, %arg4: memref<512x256xf32, #tpu.memory_space<vmem>>, %arg5: memref<256x256xf32, #tpu.memory_space<vmem>>, %arg6: memref<1x256xf32, #tpu.memory_space<vmem>>, %arg7: memref<1x256xf32, #tpu.memory_space<vmem>>, %arg8: memref<1x256xf32, #tpu.memory_space<vmem>>, %arg9: memref<512x256xf32, #tpu.memory_space<vmem>>) attributes {dimension_semantics = [#tpu.dimension_semantics<arbitrary>], iteration_bounds = array<i64: 20>, scalar_prefetch = 0 : i64, scratch_operands = 0 : i64, tpu.core_type = #tpu.core_type<tc>, window_params = [{transform_indices = @transform_0, window_bounds = array<i64: 1, 512, 128>}, {transform_indices = @transform_1, window_bounds = array<i64: 1, 512, 128>}, {transform_indices = @transform_2, window_bounds = array<i64: 512, 128>}, {transform_indices = @transform_3, window_bounds = array<i64: 512, 256>}, {pipeline_mode = #tpu.pipeline_mode<synchronous>, transform_indices = @transform_4, window_bounds = array<i64: 256, 256>}, {pipeline_mode = #tpu.pipeline_mode<synchronous>, transform_indices = @transform_5, window_bounds = array<i64: 1, 256>}, {pipeline_mode = #tpu.pipeline_mode<synchronous>, transform_indices = @transform_6, window_bounds = array<i64: 1, 256>}, {pipeline_mode = #tpu.pipeline_mode<synchronous>, transform_indices = @transform_7, window_bounds = array<i64: 1, 256>}, {transform_indices = @transform_8, window_bounds = array<i64: 512, 256>}]} {
    %get3A = arith.constant 0 : index
    %get3A_0 = arith.constant 0 : index
    %get3A_1 = vector.load %arg3[%get3A, %get3A_0] : memref<512x128xf32, #tpu.memory_space<vmem>>, vector<512x1xf32>
    %max3A = arith.constant 1.000000e+00 : f32
    %max3A_2 = vector.broadcast %max3A : f32 to vector<512x1xf32>
    %max3A_3 = arith.maximumf %get3A_1, %max3A_2 : vector<512x1xf32>
    %get3A_4 = arith.constant 0 : index
    %get3A_5 = arith.constant 0 : index
    %get3A_6 = arith.constant 0 : index
    %get3A_7 = vector.load %arg1[%get3A_4, %get3A_5, %get3A_6] : memref<1x512x128xf32, #tpu.memory_space<vmem>>, vector<1x512x128xf32>
    %get3A_8 = vector.shape_cast %get3A_7 : vector<1x512x128xf32> to vector<512x128xf32>
    %div3A = vector.broadcast %max3A_3 : vector<512x1xf32> to vector<512x128xf32>
    %div3A_9 = arith.divf %get3A_8, %div3A : vector<512x128xf32>
    %get3A_10 = arith.constant 0 : index
    %get3A_11 = arith.constant 0 : index
    %get3A_12 = arith.constant 0 : index
    %get3A_13 = vector.load %arg2[%get3A_10, %get3A_11, %get3A_12] : memref<1x512x128xf32, #tpu.memory_space<vmem>>, vector<1x512x128xf32>
    %get3A_14 = vector.shape_cast %get3A_13 : vector<1x512x128xf32> to vector<512x128xf32>
    %div3A_15 = vector.broadcast %max3A_3 : vector<512x1xf32> to vector<512x128xf32>
    %div3A_16 = arith.divf %get3A_14, %div3A_15 : vector<512x128xf32>
    %get3A_17 = arith.constant 0 : index
    %get3A_18 = arith.constant 0 : index
    %get3A_19 = vector.load %arg5[%get3A_17, %get3A_18] : memref<256x256xf32, #tpu.memory_space<vmem>>, vector<128x256xf32>
    %dot_general3A = arith.constant dense<0.000000e+00> : vector<512x256xf32>
    %dot_general3A_20 = tpu.matmul %div3A_9, %get3A_19, %dot_general3A {dimension_numbers = #tpu.dot_dimension_numbers<[1], [0], [0], [1], [0, 0, 1, 1], [], []>, precision = #tpu.contract_precision<fp32>, transpose_lhs_hint = false} : vector<512x128xf32>, vector<128x256xf32>, vector<512x256xf32> -> vector<512x256xf32>
    %get3A_21 = arith.constant 128 : index
    %get3A_22 = arith.constant 0 : index
    %get3A_23 = vector.load %arg5[%get3A_21, %get3A_22] : memref<256x256xf32, #tpu.memory_space<vmem>>, vector<128x256xf32>
    %dot_general3A_24 = arith.constant dense<0.000000e+00> : vector<512x256xf32>
    %dot_general3A_25 = tpu.matmul %div3A_16, %get3A_23, %dot_general3A_24 {dimension_numbers = #tpu.dot_dimension_numbers<[1], [0], [0], [1], [0, 0, 1, 1], [], []>, precision = #tpu.contract_precision<fp32>, transpose_lhs_hint = false} : vector<512x128xf32>, vector<128x256xf32>, vector<512x256xf32> -> vector<512x256xf32>
    %add3A = arith.addf %dot_general3A_20, %dot_general3A_25 : vector<512x256xf32>
    %get3A_26 = arith.constant 0 : index
    %get3A_27 = arith.constant 0 : index
    %get3A_28 = vector.load %arg4[%get3A_26, %get3A_27] : memref<512x256xf32, #tpu.memory_space<vmem>>, vector<512x256xf32>
    %add3A_29 = arith.addf %get3A_28, %add3A : vector<512x256xf32>
    %get3A_30 = arith.constant 0 : index
    %get3A_31 = arith.constant 0 : index
    %get3A_32 = vector.load %arg6[%get3A_30, %get3A_31] : memref<1x256xf32, #tpu.memory_space<vmem>>, vector<1x256xf32>
    %add3A_33 = vector.broadcast %get3A_32 : vector<1x256xf32> to vector<512x256xf32>
    %add3A_34 = arith.addf %add3A_29, %add3A_33 : vector<512x256xf32>
    %reduce_sum3A = arith.constant dense<0.000000e+00> : vector<512xf32>
    %reduce_sum3A_35 = vector.multi_reduction <add>, %add3A_34, %reduce_sum3A [1] : vector<512x256xf32> to vector<512xf32>
    %broadcast_in_dim3A = vector.shape_cast %reduce_sum3A_35 : vector<512xf32> to vector<512x1xf32>
    %div3A_36 = arith.constant 2.560000e+02 : f32
    %div3A_37 = vector.broadcast %div3A_36 : f32 to vector<512x1xf32>
    %div3A_38 = arith.divf %broadcast_in_dim3A, %div3A_37 : vector<512x1xf32>
    %sub3A = vector.broadcast %div3A_38 : vector<512x1xf32> to vector<512x256xf32>
    %sub3A_39 = arith.subf %add3A_34, %sub3A : vector<512x256xf32>
    %mul3A = arith.mulf %sub3A_39, %sub3A_39 : vector<512x256xf32>
    %reduce_sum3A_40 = arith.constant dense<0.000000e+00> : vector<512xf32>
    %reduce_sum3A_41 = vector.multi_reduction <add>, %mul3A, %reduce_sum3A_40 [1] : vector<512x256xf32> to vector<512xf32>
    %broadcast_in_dim3A_42 = vector.shape_cast %reduce_sum3A_41 : vector<512xf32> to vector<512x1xf32>
    %div3A_43 = arith.constant 2.560000e+02 : f32
    %div3A_44 = vector.broadcast %div3A_43 : f32 to vector<512x1xf32>
    %div3A_45 = arith.divf %broadcast_in_dim3A_42, %div3A_44 : vector<512x1xf32>
    %add3A_46 = arith.constant 9.99999974E-6 : f32
    %add3A_47 = vector.broadcast %add3A_46 : f32 to vector<512x1xf32>
    %add3A_48 = arith.addf %div3A_45, %add3A_47 : vector<512x1xf32>
    %rsqrt3A = math.rsqrt %add3A_48 : vector<512x1xf32>
    %mul3A_49 = vector.broadcast %rsqrt3A : vector<512x1xf32> to vector<512x256xf32>
    %mul3A_50 = arith.mulf %sub3A_39, %mul3A_49 : vector<512x256xf32>
    %get3A_51 = arith.constant 0 : index
    %get3A_52 = arith.constant 0 : index
    %get3A_53 = vector.load %arg7[%get3A_51, %get3A_52] : memref<1x256xf32, #tpu.memory_space<vmem>>, vector<1x256xf32>
    %mul3A_54 = vector.broadcast %get3A_53 : vector<1x256xf32> to vector<512x256xf32>
    %mul3A_55 = arith.mulf %mul3A_50, %mul3A_54 : vector<512x256xf32>
    %get3A_56 = arith.constant 0 : index
    %get3A_57 = arith.constant 0 : index
    %get3A_58 = vector.load %arg8[%get3A_56, %get3A_57] : memref<1x256xf32, #tpu.memory_space<vmem>>, vector<1x256xf32>
    %add3A_59 = vector.broadcast %get3A_58 : vector<1x256xf32> to vector<512x256xf32>
    %add3A_60 = arith.addf %mul3A_55, %add3A_59 : vector<512x256xf32>
    %swap3A = arith.constant 0 : index
    %swap3A_61 = arith.constant 0 : index
    %swap3A_62 = vector.load %arg9[%swap3A, %swap3A_61] : memref<512x256xf32, #tpu.memory_space<vmem>>, vector<512x256xf32>
    tpu.vector_store %arg9[%swap3A, %swap3A_61], %add3A_60 {strides = array<i32>} : memref<512x256xf32, #tpu.memory_space<vmem>>, vector<512x256xf32>,
    return
  }
  func.func @transform_0(%arg0: i32) -> (i32, i32, i32) {
    %c0_i32 = arith.constant 0 : i32
    %c0_i32_0 = arith.constant 0 : i32
    %c0_i32_1 = arith.constant 0 : i32
    return %c0_i32, %arg0, %c0_i32_0 : i32, i32, i32
  }
  func.func @transform_1(%arg0: i32) -> (i32, i32, i32) {
    %c1_i32 = arith.constant 1 : i32
    %c0_i32 = arith.constant 0 : i32
    %c0_i32_0 = arith.constant 0 : i32
    return %c1_i32, %arg0, %c0_i32 : i32, i32, i32
  }
  func.func @transform_2(%arg0: i32) -> (i32, i32) {
    %c0_i32 = arith.constant 0 : i32
    %c0_i32_0 = arith.constant 0 : i32
    return %arg0, %c0_i32 : i32, i32
  }
  func.func @transform_3(%arg0: i32) -> (i32, i32) {
    %c0_i32 = arith.constant 0 : i32
    %c0_i32_0 = arith.constant 0 : i32
    return %arg0, %c0_i32 : i32, i32
  }
  func.func @transform_4(%arg0: i32) -> (i32, i32) {
    %c0_i32 = arith.constant 0 : i32
    %c0_i32_0 = arith.constant 0 : i32
    %c0_i32_1 = arith.constant 0 : i32
    return %c0_i32, %c0_i32_0 : i32, i32
  }
  func.func @transform_5(%arg0: i32) -> (i32, i32) {
    %c0_i32 = arith.constant 0 : i32
    %c0_i32_0 = arith.constant 0 : i32
    %c0_i32_1 = arith.constant 0 : i32
    return %c0_i32, %c0_i32_0 : i32, i32
  }
  func.func @transform_6(%arg0: i32) -> (i32, i32) {
    %c0_i32 = arith.constant 0 : i32
    %c0_i32_0 = arith.constant 0 : i32
    %c0_i32_1 = arith.constant 0 : i32
    return %c0_i32, %c0_i32_0 : i32, i32
  }
  func.func @transform_7(%arg0: i32) -> (i32, i32) {
    %c0_i32 = arith.constant 0 : i32
    %c0_i32_0 = arith.constant 0 : i32
    %c0_i32_1 = arith.constant 0 : i32
    return %c0_i32, %c0_i32_0 : i32, i32
  }
  func.func @transform_8(%arg0: i32) -> (i32, i32) {
    %c0_i32 = arith.constant 0 : i32
    %c0_i32_0 = arith.constant 0 : i32
    return %arg0, %c0_i32 : i32, i32
  }
}

</mosaic_0001>

<sc_bundles>
// kernel: kernel.5.cloned.1.call-start
scs
__scs_entry_jumppad:
0x0: {  	(pc) =	sbr.rel $0x88, $3  }
0x1: {  	(tag) =	ssettag $0x0;
	lr =	simm.s32 $0x1  }
0x2: {  	[smem:$0x3F9B] =	sst lr;
	_ =	strace $0xD0000000  }
0x3: {  	_ = 	snop  }
0x4: {  	_ = 	snop  }
0x5: {  	_ = 	snop  }
0x6: {  	_ = 	snop  }
0x7: {  	_ = 	snop  }
__scs_overlays_trampoline_lowered:
0x8: {  	[smem:$0x3FAA] =	sst s0  }
0x9: {  	[smem:$0x3FAB] =	sst s1  }
0xa: {  	[smem:$0x3FAC] =	sst s2  }
0xb: {  	[smem:$0x3FAD] =	sst s3  }
0xc: {  	[smem:$0x3FAE] =	sst s4  }
0xd: {  	[smem:$0x3FAF] =	sst s5  }
0xe: {  	[smem:$0x3FB0] =	sst s6  }
0xf: {  	[smem:$0x3FB1] =	sst s7  }
0x10: {  	[smem:$0x3FB2] =	sst s8  }
0x11: {  	[smem:$0x3FB3] =	sst s9;
	s0 =	simm.s32 @!p0 $0x0  }
0x12: {  	s1 =	sld [smem:$0x3F99];
	s0 =	simm.s32 @p0 $0x1  }
0x13: {  	[smem:$0x3FB4] =	sst s0;
	s0 =	simm.s32 @!p1 $0x0  }
0x14: {  	s2 =	sld [smem:$0x3F98];
	s0 =	simm.s32 @p1 $0x1  }
0x15: {  	[smem:$0x3FB5] =	sst s0;
	s0 =	simm.s32 @!p2 $0x0  }
0x16: {  	s3 =	sld [smem:$0x3FDB];
	s0 =	simm.s32 @p2 $0x1  }
0x17: {  	s4 =	simm.s32 $0x1BF5;
	[smem:$0x3FB7] =	sst s0  }
0x18: {  	s0 =	sld [smem:$0x3F9A];
	_ =	swait.ge [sflag:s4], $0x0  }
0x19: {  	s7 =	sld [smem:$0x3F9B]  }
0x1a: {  	s8 =	sadd.s32 $0xFFFFE003, lr  }
0x1b: {  	s9 =	sadd.s32 $0xFFFFFEF7, lr;
	s5 =	simm.s32 $0xFFFFFFFF;
	p2 =	slt.u32 s8, $0xFFFFF086  }
0x1c: {  	p1 =	slt.u32 s9, $0xF7A;
	s5 =	simm.s32 @!p2 $0x0  }
0x1d: {  	s5 =	simm.s32 @p1 $0x1;
	p0 =	seq.s32 s7, s2  }
0x1e: {  	s7 =	smul.u32 @!p0 $0xF7A, s2;
	p2 =	seq.s32 @!p0 s5, $0x0  }
0x1f: {  	s9 =	smul.u32 $0xF7A, s1;
	s8 =	simm.s32 @!p0 $0x1BF5;
	p2 =	por !p2, p0  }
0x20: {  	[sflag:s8] =	ssyncset.s32 @!p0 $0xFFFFF086;
	s6 =	sadd.s32 @!p0 s3, s7;
	s7 =	simm.s32 @!p0 $0x108  }
0x21: {  	s3 =	sadd.s32 s3, s9;
	s6 =	sadd.s32 @!p0 $0x88, s6;
	s7 =	simm.s32 @p2 $0x1082  }
0x22: {  	[simem:s7], [sflag:s8] =	dma.local @!p0 [hbm:s6], $0xF7A  }
0x23: {  	s9 =	sor.u32 $0xD0000000, s2;
	s6 =	simm.s32 $0x108;
	_ =	swait.ge @!p0 [sflag:s8], $0x0  }
0x24: {  	s3 =	sadd.s32 $0x88, s3;
	s6 =	simm.s32 @!p1 $0x1082;
	[sflag:s4] =	ssyncset.s32 $0xFFFFF086  }
0x25: {  	[simem:s6], [sflag:s4] =	dma.local [hbm:s3], $0xF7A  }
0x26: {  	[smem:$0x3F9B] =	sst s1;
	(tag) =	ssettag s2;
	_ =	strace s9  }
0x27: {  	s1 =	sld [smem:$0x3FAB]  }
0x28: {  	s2 =	sld [smem:$0x3FAC]  }
0x29: {  	s4 =	sld [smem:$0x3FAE]  }
0x2a: {  	p0 =	seq.s32 s5, $0x0;
	s5 =	sld [smem:$0x3FAF]  }
0x2b: {  	s6 =	sld [smem:$0x3FB0]  }
0x2c: {  	s7 =	sld [smem:$0x3FB1]  }
0x2d: {  	s3 =	simm.s32 $0x108;
	s8 =	sld [smem:$0x3FB2]  }
0x2e: {  	s3 =	simm.s32 @!p0 $0x1082;
	s9 =	sld [smem:$0x3FB3]  }
0x2f: {  	lr =	sadd.s32 s0, s3;
	s0 =	sld [smem:$0x3FAA]  }
0x30: {  	s3 =	sld [smem:$0x3FAD]  }
0x31: {  	[smem:$0x3FB6] =	sst s10  }
0x32: {  	s10 =	sld [smem:$0x3FB4];
	_ =	sdelay $0x3  }
0x33: {  	p0 =	seq.s32 s10, $0x1;
	s10 =	sld [smem:$0x3FB6];
	_ =	sdelay $0x3  }
0x34: {  	[smem:$0x3FB6] =	sst s10  }
0x35: {  	s10 =	sld [smem:$0x3FB5];
	_ =	sdelay $0x3  }
0x36: {  	p1 =	seq.s32 s10, $0x1;
	s10 =	sld [smem:$0x3FB6];
	_ =	sdelay $0x3  }
0x37: {  	[smem:$0x3FB6] =	sst s10  }
0x38: {  	s10 =	sld [smem:$0x3FB7]  }
0x39: {  	_ = 	snop;
	(pc) =	sbr.ind lr, $3  }
0x3a: {  	_ = 	snop  }
0x3b: {  	_ = 	snop  }
0x3c: {  	p2 =	seq.s32 s10, $0x1;
	s10 =	sld [smem:$0x3FB6]  }
0x3d: {  	_ =	shalt  }
0x3e: {  	_ =	shalt  }
0x3f: {  	_ =	shalt  }
0x40: {  	_ =	shalt  }
0x41: {  	_ =	shalt  }
0x42: {  	_ =	shalt  }
0x43: {  	_ =	shalt  }
0x44: {  	_ =	shalt  }
0x45: {  	_ =	shalt  }
0x46: {  	_ =	shalt  }
0x47: {  	_ =	shalt  }
0x48: {  	_ =	shalt  }
0x49: {  	_ =	shalt  }
0x4a: {  	_ =	shalt  }
0x4b: {  	_ =	shalt  }
0x4c: {  	_ =	shalt  }
0x4d: {  	_ =	shalt  }
0x4e: {  	_ =	shalt  }
0x4f: {  	_ =	shalt  }
0x50: {  	_ =	shalt  }
0x51: {  	_ =	shalt  }
0x52: {  	_ =	shalt  }
0x53: {  	_ =	shalt  }
0x54: {  	_ =	shalt  }
0x55: {  	_ =	shalt  }
0x56: {  	_ =	shalt  }
0x57: {  	_ =	shalt  }
0x58: {  	_ =	shalt  }
0x59: {  	_ =	shalt  }
0x5a: {  	_ =	shalt  }
0x5b: {  	_ =	shalt  }
0x5c: {  	_ =	shalt  }
0x5d: {  	_ =	shalt  }
0x5e: {  	_ =	shalt  }
0x5f: {  	_ =	shalt  }
0x60: {  	_ =	shalt  }
0x61: {  	_ =	shalt  }
0x62: {  	_ =	shalt  }
0x63: {  	_ =	shalt  }
0x64: {  	_ =	shalt  }
0x65: {  	_ =	shalt  }
0x66: {  	_ =	shalt  }
0x67: {  	_ =	shalt  }
0x68: {  	_ =	shalt  }
0x69: {  	_ =	shalt  }
0x6a: {  	_ =	shalt  }
0x6b: {  	_ =	shalt  }
0x6c: {  	_ =	shalt  }
0x6d: {  	_ =	shalt  }
0x6e: {  	_ =	shalt  }
0x6f: {  	_ =	shalt  }
0x70: {  	_ =	shalt  }
0x71: {  	_ =	shalt  }
0x72: {  	_ =	shalt  }
0x73: {  	_ =	shalt  }
0x74: {  	_ =	shalt  }
0x75: {  	_ =	shalt  }
0x76: {  	_ =	shalt  }
0x77: {  	_ =	shalt  }
0x78: {  	_ =	shalt  }
0x79: {  	_ =	shalt  }
0x7a: {  	_ =	shalt  }
0x7b: {  	_ =	shalt  }
0x7c: {  	_ =	shalt  }
0x7d: {  	_ =	shalt  }
0x7e: {  	_ =	shalt  }
0x7f: {  	_ =	shalt  }
0x80: {  	_ =	shalt  }
0x81: {  	_ =	shalt  }
0x82: {  	_ =	shalt  }
0x83: {  	_ =	shalt  }
0x84: {  	_ =	shalt  }
0x85: {  	_ =	shalt  }
0x86: {  	_ =	shalt  }
0x87: {  	_ =	shalt  }
.Lfunc_end0:
.L_simem_size_0:
called_computation_lowered:
.L_overlay_start_0:
0x88: {  	s2 =	sld [smem:$0x3FD9]  }
0x89: {  	s3 =	sld [smem:$0x3FFE];
	_ =	sdelay $0x1  }
0x8a: {  	s1 =	srdreg.scid  }
0x8b: {  	s0 =	sand.u32 $0x1, s1  }
0x8c: {  	s17 =	sshll.u32 s0, $0xA;
	s2 =	sadd.s32 s3, s2  }
0x8d: {  	s2 =	sadd.s32 s2, s17  }
0x8e: {  	[smem:$0x3FC2] =	sst s2  }
0x8f: {  	_ = 	snop  }
0x90: {  	s2 =	sld [smem:$0x3FD0];
	(tm) =	ssettm $0x1  }
0x91: {  	s18 =	sld [smem:$0x3FFB];
	_ =	sdelay $0x3  }
0x92: {  	_ =	strace s18  }
0x93: {  	s3 =	sld [smem:$0x3FFC];
	_ =	sdelay $0x3  }
0x94: {  	_ =	strace s3  }
0x95: {  	s3 =	sld [smem:$0x3FFD];
	_ =	sdelay $0x3  }
0x96: {  	_ =	strace s3  }
0x97: {  	_ =	strace $0x8FFFFFFF  }
0x98: {  	s19 =	sld [smem:$0x3FDB];
	_ =	sdelay $0x1  }
0x99: {  	s4 =	simm.s32 $_scs_section_size  }
0x9a: {  	s5 =	simm.s32 $_size__tile_overlayer_lowered;
	s6 =	simm.s32 $_tile_overlayer_lowered  }
0x9b: {  	s22 =	simm.s32 $0x1BFF;
	s21 =	sshll.u32 s6, $0x1;
	s3 =	sadd.s32 s4, s19  }
0x9c: {  	s7 =	simm.s32 $0x0;
	s20 =	sshll.u32 s5, $0x1;
	s5 =	sadd.s32 s21, s3  }
0x9d: {  	[timem:s7], [sflag:s22] =	dma.local [hbm:s5], s20  }
0x9e: {  	_ =	swait.ge [sflag:s22], s20  }
0x9f: {  	s4 =	ssub.s32 $0x0, s20;
	[sflag:s22] =	ssyncset.done $0x0  }
0xa0: {  	[sflag:s22] =	ssyncadd.s32 s4;
	_ =	sdelay $0x1  }
0xa1: {  	s23 =	simm.s32 $0x1B8B  }
0xa2: {  	_ =	swait.ge [sflag:s23], $0x1  }
0xa3: {  	[sflag:s23] =	ssyncset.done $0x0  }
0xa4: {  	s25 =	simm.s32 $0x1B8E;
	s24 =	sld [smem:$0x3FFE];
	[sflag:s23] =	ssyncadd.s32 $0xFFFFFFFF  }
0xa5: {  	s26 =	simm.s32 $execute0_lowered;
	[smem:$0x3FD2] =	sst s25  }
0xa6: {  	s5 =	sshll.u32 s26, $0x1;
	_ =	strace $0x80000046;
	[dreg:$0x1] =	wrdreg $0xFFFFFFFF  }
0xa7: {  	s28 =	simm.s32 $_size_execute0_lowered;
	s3 =	sadd.s32 s3, s5;
	[dreg:$0x0] =	wrdreg $0x0  }
0xa8: {  	s5 =	sshll.u32 s28, $0x1;
	[dreg:$0x2] =	wrdreg s3  }
0xa9: {  	[dreg:$0x3] =	wrdreg s5  }
0xaa: {  	[dreg:$0x4] =	wrdreg $0xC0  }
0xab: {  	_ =	task [dreg:s7], $0x5FFFF  }
0xac: {  	[dreg:$0x1] =	wrdreg $0xFFFFFFFF  }
0xad: {  	[dreg:$0x0] =	wrdreg $0x60  }
0xae: {  	[dreg:$0x2] =	wrdreg s2  }
0xaf: {  	[dreg:$0x3] =	wrdreg s24  }
0xb0: {  	[dreg:$0x4] =	wrdreg $0x41000  }
0xb1: {  	[dreg:$0x5] =	wrdreg $0x9  }
0xb2: {  	_ =	task.clear_ibuf [dreg:s7], $0x6FFFF;
	_ =	strace $0x90000046  }
0xb3: {  	s29 =	simm.s32 $0x9;
	_ =	strace $0x80000048  }
0xb4: {  	_ =	swait.ge [sflag:s29], $0x1  }
0xb5: {  	[sflag:s29] =	ssyncadd.s32 $0xFFFFFFFF  }
0xb6: {  	_ =	strace $0x90000048  }
0xb7: {  	_ =	sfence  }
0xb8: {  	s30 =	sld [smem:$0x0];
	_ =	sdelay $0x2  }
0xb9: {  	s31 =	sshll.u32 s1, $0xD;
	s1 =	sshrl.u32 s1, $0x2  }
0xba: {  	s3 =	sand.u32 $0x4000, s31;
	s1 =	sadd.s32 s1, s30  }
0xbb: {  	s0 =	sor.u32 s3, s0;
	s1 =	sshll.u32 s1, $0x11  }
0xbc: {  	s0 =	sor.u32 s1, s0  }
0xbd: {  	s0 =	sadd.s32 $0x8F2B, s0  }
0xbe: {  	[sflag:s0] =	ssyncadd.remote.s32 $0x1  }
0xbf: {  	_ =	sfence.sel $0xFFFF  }
0xc0: {  	[dreg:$0x0] =	wrdreg $0xFFFFFFFF;
	(pc) =	sbr.abs _section_cstart, $3  }
0xc1: {  	[dreg:$0x1] =	wrdreg $0xFFFFFFFF  }
0xc2: {  	_ =	task.clear_ibuf [dreg:s7], $0x2FFFF;
	_ =	strace $0x9FFFFFFF  }
0xc3: {  	(tm) =	ssettm $0x7FFFFFFF  }
tec
execute0_lowered:
.L_overlay_start_1:
0x0: {  	(tag) =	ssettag $0x1  }
0x1: {  	s1 =	rddreg [dreg:$0x0]  }
0x2: {  	s6 =	rddreg [dreg:$0x1]  }
0x3: {  	s3 =	rddreg [dreg:$0x2];
	s2 =	stileid.u32  }
0x4: {  	s0 =	rddreg [dreg:$0x3];
	s5 =	smul.u32 $0x9E0, s2  }
0x5: {  	s4 =	simm.s32 $0x0;
	s8 =	srdreg.scid;
	s7 =	smul.u32 $0x4F0, s2  }
0x6: {  	[smem:$0x7FF] =	sst s4;
	s28 =	smul.u32 $0x4F000, s2  }
0x7: {  	s11 =	sand.u32 $0x1, s8;
	s10 =	smul.u32 $0x13C00, s2;
	s15 =	sadd.s32 $0x10E00, s6  }
0x8: {  	_ =	strace $0x80000047;
	s29 =	ssub.s32 $0x2, s11;
	s14 =	smul.u32 $0x13C000, s11  }
0x9: {  	s22 =	sshll.u32 s11, $0x4;
	s17 =	sadd.s32 s5, s6;
	s18 =	sadd.s32 s7, s6  }
0xa: {  	s5 =	sadd.s32 $0x10600, s6;
	s9 =	sshrl.u32 s29, $0x1;
	s8 =	sshrl.u32 s28, $0x2  }
0xb: {  	s12 =	sadd.s32 $0x4000, s10;
	s13 =	sadd.s32 $0x8000, s10;
	s19 =	sadd.s32 $0xC000, s10  }
0xc: {  	s20 =	sadd.s32 $0xFC00, s10;
	s16 =	ssub.s32 s29, s9;
	s6 =	sadd.s32 s8, s3  }
0xd: {  	s7 =	sadd.s32 s12, s3;
	s8 =	sadd.s32 s13, s3;
	s9 =	sadd.s32 s19, s3  }
0xe: {  	s21 =	sadd.s32 s10, s14;
	s10 =	sadd.s32 s20, s3;
	s12 =	sadd.s32 s14, s12  }
0xf: {  	s13 =	sadd.s32 s14, s13;
	s19 =	sadd.s32 s14, s19;
	s20 =	sadd.s32 s14, s20  }
0x10: {  	s31 =	sadd.s32 s22, s17;
	s17 =	sadd.s32 $0xB600, s18;
	s22 =	simm.s32 $0x0  }
0x11: {  	s21 =	sshrl.u32 s21, $0x3;
	s12 =	sshrl.u32 s12, $0x3;
	s13 =	sshrl.u32 s13, $0x3  }
0x12: {  	s19 =	sshrl.u32 s19, $0x3;
	s30 =	sshrl.u32 s20, $0x3;
	s16 =	smax.u32 s16, $0x1  }
0x13: {  	s18 =	sadd.s32 $0x1800, s31;
	s20 =	simm.s32 $0x1;
	s11 =	sadd.s32 s15, s21  }
0x14: {  	s12 =	sadd.s32 s15, s12;
	s13 =	sadd.s32 s15, s13;
	s14 =	sadd.s32 s15, s19  }
0x15: {  	s15 =	sadd.s32 s15, s30;
	s19 =	simm.s32 $0x100;
	s21 =	simm.s32 $0x80  }
.LBB2_1:
0x16: {  	[tilespmem:s19], [sflag:$0x1] =	stream.linear.gather [hbm4b:s5+s4], $0x4000, $0x38;
	[tilespmem:$0x17D00] =	vst v63  }
0x17: {  	_ =	swait.ge [sflag:s20], $0x4000  }
0x18: {  	[sflag:s20] =	ssyncset.done $0x0  }
0x19: {  	[sflag:s20] =	ssyncadd.s32 $0xFFFFC000  }
0x1a: {  	[spmem:s6] =	stream.linear.scatter [tilespmem:s19], [sflag:$0x1], $0x4000, $0x38;
	[tilespmem:$0x17D00] =	vst v63  }
0x1b: {  	_ =	swait.ge [sflag:s20], $0x4000  }
0x1c: {  	[sflag:s20] =	ssyncset.done $0x0  }
0x1d: {  	[sflag:s20] =	ssyncadd.s32 $0xFFFFC000  }
0x1e: {  	[spmem:s7] =	stream.linear.scatter [tilespmem:s19], [sflag:$0x1], $0x4000, $0x38;
	[tilespmem:$0x17D00] =	vst v63  }
0x1f: {  	_ =	swait.ge [sflag:s20], $0x4000  }
0x20: {  	[sflag:s20] =	ssyncset.done $0x0  }
0x21: {  	[sflag:s20] =	ssyncadd.s32 $0xFFFFC000  }
0x22: {  	[spmem:s8] =	stream.linear.scatter [tilespmem:s19], [sflag:$0x1], $0x4000, $0x38;
	[tilespmem:$0x17D00] =	vst v63  }
0x23: {  	_ =	swait.ge [sflag:s20], $0x4000  }
0x24: {  	[sflag:s20] =	ssyncset.done $0x0  }
0x25: {  	[sflag:s20] =	ssyncadd.s32 $0xFFFFC000  }
0x26: {  	[spmem:s9] =	stream.linear.scatter [tilespmem:s19], [sflag:$0x1], $0x4000, $0x38;
	[tilespmem:$0x17D00] =	vst v63  }
0x27: {  	_ =	swait.ge [sflag:s20], $0x4000  }
0x28: {  	[sflag:s20] =	ssyncset.done $0x0  }
0x29: {  	[sflag:s20] =	ssyncadd.s32 $0xFFFFC000  }
0x2a: {  	[spmem:s10] =	stream.linear.scatter [tilespmem:s19], [sflag:$0x1], $0x4000, $0x38;
	[tilespmem:$0x17D00] =	vst v63  }
0x2b: {  	_ =	swait.ge [sflag:s20], $0x4000  }
0x2c: {  	[sflag:s20] =	ssyncset.done $0x0  }
0x2d: {  	[sflag:s20] =	ssyncadd.s32 $0xFFFFC000  }
0x2e: {  	[bflag:$0x0] =	sbarrier.arrive $0xFFFF  }
0x2f: {  	[tilespmem:s4], [sflag:$0x1] =	stream.linear.gather [hbm4b:s18+s4], $0x80, $0x38;
	[tilespmem:$0x17D00] =	vst v63  }
0x30: {  	_ =	swait.ge [sflag:s20], $0x80  }
0x31: {  	[sflag:s20] =	ssyncset.done $0x0  }
0x32: {  	s23 =	sadd.s32 $0x0, s17;
	[sflag:s20] =	ssyncadd.s32 $0xFFFFFF80  }
0x33: {  	[tilespmem:s21], [sflag:$0x1] =	stream.linear.gather [hbm4b:s23+s4], $0x80, $0x38;
	[tilespmem:$0x17D00] =	vst v63  }
0x34: {  	_ =	swait.ge [sflag:s20], $0x80  }
0x35: {  	[sflag:s20] =	ssyncset.done $0x0  }
0x36: {  	[sflag:s20] =	ssyncadd.s32 $0xFFFFFF80  }
0x37: {  	[tilespmem:s19], [sflag:$0x1] =	stream.indirect.gather [hbm4b:s1+s21], $0x80, s4, s21, $0xb8;
	[tilespmem:$0x17D00] =	vst v63  }
0x38: {  	_ =	swait.ge [sflag:s20], $0x4000  }
0x39: {  	[sflag:s20] =	ssyncset.done $0x0  }
0x3a: {  	[sflag:s20] =	ssyncadd.s32 $0xFFFFC000  }
0x3b: {  	[spmem:s3] =	stream.indirect.scatter.add.f32 [tilespmem:s19], [sflag:$0x1], $0x80, s21, s21, $0xb8;
	[tilespmem:$0x17D00] =	vst v63  }
0x3c: {  	_ =	swait.ge [sflag:s20], $0x4000  }
0x3d: {  	s24 =	smov.u32 s18;
	s23 =	simm.s32 $0x10;
	[sflag:s20] =	ssyncset.done $0x0  }
.LBB2_2:
0x3e: {  	p0 =	sne.s32 s23, $0x4E0;
	[sflag:s20] =	ssyncadd.s32 $0xFFFFC000;
	s24 =	sadd.s32 $0x20, s24  }
0x3f: {  	[tilespmem:s4], [sflag:$0x1] =	stream.linear.gather [hbm4b:s24+s4], $0x80, $0x38;
	[tilespmem:$0x17D00] =	vst v63  }
0x40: {  	s25 =	smov.u32 s23;
	s23 =	sadd.s32 $0x10, s23;
	_ =	swait.ge [sflag:s20], $0x80  }
0x41: {  	[sflag:s20] =	ssyncset.done $0x0  }
0x42: {  	s25 =	sadd.s32 s25, s17;
	[sflag:s20] =	ssyncadd.s32 $0xFFFFFF80  }
0x43: {  	[tilespmem:s21], [sflag:$0x1] =	stream.linear.gather [hbm4b:s25+s4], $0x80, $0x38;
	[tilespmem:$0x17D00] =	vst v63  }
0x44: {  	_ =	swait.ge [sflag:s20], $0x80  }
0x45: {  	[sflag:s20] =	ssyncset.done $0x0  }
0x46: {  	[sflag:s20] =	ssyncadd.s32 $0xFFFFFF80  }
0x47: {  	[tilespmem:s19], [sflag:$0x1] =	stream.indirect.gather [hbm4b:s1+s21], $0x80, s4, s21, $0xb8;
	[tilespmem:$0x17D00] =	vst v63  }
0x48: {  	_ =	swait.ge [sflag:s20], $0x4000  }
.Ltmp0:
0x49: {  	[sflag:s20] =	ssyncset.done $0x0;
	(pc) =	sbr.rel @p0 .LBB2_2-.Ltmp0, $4  }
0x4a: {  	[sflag:s20] =	ssyncadd.s32 $0xFFFFC000  }
0x4b: {  	[spmem:s3] =	stream.indirect.scatter.add.f32 [tilespmem:s19], [sflag:$0x1], $0x80, s21, s21, $0xb8;
	[tilespmem:$0x17D00] =	vst v63  }
0x4c: {  	_ =	swait.ge [sflag:s20], $0x4000  }
0x4d: {  	[sflag:s20] =	ssyncset.done $0x0  }
0x4e: {  	[sflag:s20] =	ssyncadd.s32 $0xFFFFC000  }
0x4f: {  	[bflag:$0x0] =	sbarrier.arrive $0xFFFF  }
0x50: {  	[tilespmem:s19], [sflag:$0x1] =	stream.linear.gather [spmem:s6], $0x4000, $0x38;
	[tilespmem:$0x17D00] =	vst v63  }
0x51: {  	_ =	swait.ge [sflag:s20], $0x4000  }
0x52: {  	[sflag:s20] =	ssyncset.done $0x0  }
0x53: {  	[sflag:s20] =	ssyncadd.s32 $0xFFFFC000  }
0x54: {  	[hbm4b:s11+s4] =	stream.linear.scatter [tilespmem:s19], [sflag:$0x1], $0x4000, $0x38;
	[tilespmem:$0x17D00] =	vst v63  }
0x55: {  	_ =	swait.ge [sflag:s20], $0x4000  }
0x56: {  	[sflag:s20] =	ssyncset.done $0x0  }
0x57: {  	[sflag:s20] =	ssyncadd.s32 $0xFFFFC000  }
0x58: {  	[tilespmem:s19], [sflag:$0x1] =	stream.linear.gather [spmem:s7], $0x4000, $0x38;
	[tilespmem:$0x17D00] =	vst v63  }
0x59: {  	_ =	swait.ge [sflag:s20], $0x4000  }
0x5a: {  	[sflag:s20] =	ssyncset.done $0x0  }
0x5b: {  	[sflag:s20] =	ssyncadd.s32 $0xFFFFC000  }
0x5c: {  	[hbm4b:s12+s4] =	stream.linear.scatter [tilespmem:s19], [sflag:$0x1], $0x4000, $0x38;
	[tilespmem:$0x17D00] =	vst v63  }
0x5d: {  	_ =	swait.ge [sflag:s20], $0x4000  }
0x5e: {  	[sflag:s20] =	ssyncset.done $0x0  }
0x5f: {  	[sflag:s20] =	ssyncadd.s32 $0xFFFFC000  }
0x60: {  	[tilespmem:s19], [sflag:$0x1] =	stream.linear.gather [spmem:s8], $0x4000, $0x38;
	[tilespmem:$0x17D00] =	vst v63  }
0x61: {  	_ =	swait.ge [sflag:s20], $0x4000  }
0x62: {  	[sflag:s20] =	ssyncset.done $0x0  }
0x63: {  	[sflag:s20] =	ssyncadd.s32 $0xFFFFC000  }
0x64: {  	[hbm4b:s13+s4] =	stream.linear.scatter [tilespmem:s19], [sflag:$0x1], $0x4000, $0x38;
	[tilespmem:$0x17D00] =	vst v63  }
0x65: {  	_ =	swait.ge [sflag:s20], $0x4000  }
0x66: {  	[sflag:s20] =	ssyncset.done $0x0  }
0x67: {  	[sflag:s20] =	ssyncadd.s32 $0xFFFFC000  }
0x68: {  	[tilespmem:s19], [sflag:$0x1] =	stream.linear.gather [spmem:s9], $0x4000, $0x38;
	[tilespmem:$0x17D00] =	vst v63  }
0x69: {  	_ =	swait.ge [sflag:s20], $0x4000  }
0x6a: {  	[sflag:s20] =	ssyncset.done $0x0  }
0x6b: {  	[sflag:s20] =	ssyncadd.s32 $0xFFFFC000  }
0x6c: {  	[hbm4b:s14+s4] =	stream.linear.scatter [tilespmem:s19], [sflag:$0x1], $0x4000, $0x38;
	[tilespmem:$0x17D00] =	vst v63  }
0x6d: {  	_ =	swait.ge [sflag:s20], $0x4000  }
0x6e: {  	[sflag:s20] =	ssyncset.done $0x0  }
0x6f: {  	[sflag:s20] =	ssyncadd.s32 $0xFFFFC000  }
0x70: {  	[tilespmem:s19], [sflag:$0x1] =	stream.linear.gather [spmem:s10], $0x4000, $0x38;
	[tilespmem:$0x17D00] =	vst v63  }
0x71: {  	s22 =	sadd.s32 $0x1, s22;
	_ =	swait.ge [sflag:s20], $0x4000  }
0x72: {  	p0 =	sne.s32 s22, s16;
	[sflag:s20] =	ssyncset.done $0x0  }
.Ltmp1:
0x73: {  	[sflag:s20] =	ssyncadd.s32 $0xFFFFC000;
	(pc) =	sbr.rel @p0 .LBB2_1-.Ltmp1, $4  }
0x74: {  	[hbm4b:s15+s4] =	stream.linear.scatter [tilespmem:s19], [sflag:$0x1], $0x4000, $0x38;
	[tilespmem:$0x17D00] =	vst v63  }
0x75: {  	_ =	swait.ge [sflag:s20], $0x4000  }
0x76: {  	[sflag:s20] =	ssyncset.done $0x0  }
0x77: {  	[sflag:s20] =	ssyncadd.s32 $0xFFFFC000  }
0x78: {  	_ =	sfence.sel $0x180000  }
0x79: {  	[bflag:$0x0] =	sbarrier.arrive $0xFFFF  }
0x7a: {  	p0 =	sne.s32 s2, $0x0;
	_ =	strace $0x90000047  }
0x7b: {  	s0 =	sadd.s32 @!p0 $0x100000, s0;
	[bflag:$0x2] =	sbarrier.arrive $0xFFFF  }
0x7c: {  	[sflag:s0] =	ssyncadd.tile.s32 @!p0 $0x1;
	_ =	shalt  }
.Lfunc_end2:
_tile_overlayer_lowered:
.L_overlay_start_2:
0x7d: {  	(tag) =	ssettag $0x2  }
0x7e: {  	s0 =	rddreg [dreg:$0x0];
	s2 =	stileid.u32  }
0x7f: {  	s1 =	rddreg [dreg:$0x1];
	p0 =	sne.s32 s2, $0x0  }
0x80: {  	s3 =	rddreg [dreg:$0x2];
	[bflag:$0x3] =	sbarrier.arrive $0xFFFF;
	s2 =	simm.s32 @!p0 $0x1C01  }
0x81: {  	[timem:s3], [sflag:s2] =	dma.local @!p0 [hbm:s0], s1  }
0x82: {  	s0 =	simm.s32 @!p0 $0x1  }
0x83: {  	_ =	swait.ge @!p0 [sflag:s0], s1  }
0x84: {  	s1 =	ssub.s32 @!p0 $0x0, s1;
	[sflag:s0] =	ssyncset.done @!p0 $0x0  }
0x85: {  	[sflag:s0] =	ssyncadd.s32 @!p0 s1  }
0x86: {  	[bflag:$0x3] =	sbarrier.arrive $0xFFFF  }
0x87: {  	_ =	shalt  }

// kernel: kernel.8.cloned.1.call-start
scs
__scs_entry_jumppad:
0x0: {  	(pc) =	sbr.rel $0x88, $3  }
0x1: {  	(tag) =	ssettag $0x0;
	lr =	simm.s32 $0x1  }
0x2: {  	[smem:$0x3F9B] =	sst lr;
	_ =	strace $0xD0000000  }
0x3: {  	_ = 	snop  }
0x4: {  	_ = 	snop  }
0x5: {  	_ = 	snop  }
0x6: {  	_ = 	snop  }
0x7: {  	_ = 	snop  }
__scs_overlays_trampoline_lowered:
0x8: {  	[smem:$0x3FAA] =	sst s0  }
0x9: {  	[smem:$0x3FAB] =	sst s1  }
0xa: {  	[smem:$0x3FAC] =	sst s2  }
0xb: {  	[smem:$0x3FAD] =	sst s3  }
0xc: {  	[smem:$0x3FAE] =	sst s4  }
0xd: {  	[smem:$0x3FAF] =	sst s5  }
0xe: {  	[smem:$0x3FB0] =	sst s6  }
0xf: {  	[smem:$0x3FB1] =	sst s7  }
0x10: {  	[smem:$0x3FB2] =	sst s8  }
0x11: {  	[smem:$0x3FB3] =	sst s9;
	s0 =	simm.s32 @!p0 $0x0  }
0x12: {  	s1 =	sld [smem:$0x3F99];
	s0 =	simm.s32 @p0 $0x1  }
0x13: {  	[smem:$0x3FB4] =	sst s0;
	s0 =	simm.s32 @!p1 $0x0  }
0x14: {  	s2 =	sld [smem:$0x3F98];
	s0 =	simm.s32 @p1 $0x1  }
0x15: {  	[smem:$0x3FB5] =	sst s0;
	s0 =	simm.s32 @!p2 $0x0  }
0x16: {  	s3 =	sld [smem:$0x3FDB];
	s0 =	simm.s32 @p2 $0x1  }
0x17: {  	s4 =	simm.s32 $0x1BF5;
	[smem:$0x3FB7] =	sst s0  }
0x18: {  	s0 =	sld [smem:$0x3F9A];
	_ =	swait.ge [sflag:s4], $0x0  }
0x19: {  	s7 =	sld [smem:$0x3F9B]  }
0x1a: {  	s8 =	sadd.s32 $0xFFFFE003, lr  }
0x1b: {  	s9 =	sadd.s32 $0xFFFFFEF7, lr;
	s5 =	simm.s32 $0xFFFFFFFF;
	p2 =	slt.u32 s8, $0xFFFFF086  }
0x1c: {  	p1 =	slt.u32 s9, $0xF7A;
	s5 =	simm.s32 @!p2 $0x0  }
0x1d: {  	s5 =	simm.s32 @p1 $0x1;
	p0 =	seq.s32 s7, s2  }
0x1e: {  	s7 =	smul.u32 @!p0 $0xF7A, s2;
	p2 =	seq.s32 @!p0 s5, $0x0  }
0x1f: {  	s9 =	smul.u32 $0xF7A, s1;
	s8 =	simm.s32 @!p0 $0x1BF5;
	p2 =	por !p2, p0  }
0x20: {  	[sflag:s8] =	ssyncset.s32 @!p0 $0xFFFFF086;
	s6 =	sadd.s32 @!p0 s3, s7;
	s7 =	simm.s32 @!p0 $0x108  }
0x21: {  	s3 =	sadd.s32 s3, s9;
	s6 =	sadd.s32 @!p0 $0x88, s6;
	s7 =	simm.s32 @p2 $0x1082  }
0x22: {  	[simem:s7], [sflag:s8] =	dma.local @!p0 [hbm:s6], $0xF7A  }
0x23: {  	s9 =	sor.u32 $0xD0000000, s2;
	s6 =	simm.s32 $0x108;
	_ =	swait.ge @!p0 [sflag:s8], $0x0  }
0x24: {  	s3 =	sadd.s32 $0x88, s3;
	s6 =	simm.s32 @!p1 $0x1082;
	[sflag:s4] =	ssyncset.s32 $0xFFFFF086  }
0x25: {  	[simem:s6], [sflag:s4] =	dma.local [hbm:s3], $0xF7A  }
0x26: {  	[smem:$0x3F9B] =	sst s1;
	(tag) =	ssettag s2;
	_ =	strace s9  }
0x27: {  	s1 =	sld [smem:$0x3FAB]  }
0x28: {  	s2 =	sld [smem:$0x3FAC]  }
0x29: {  	s4 =	sld [smem:$0x3FAE]  }
0x2a: {  	p0 =	seq.s32 s5, $0x0;
	s5 =	sld [smem:$0x3FAF]  }
0x2b: {  	s6 =	sld [smem:$0x3FB0]  }
0x2c: {  	s7 =	sld [smem:$0x3FB1]  }
0x2d: {  	s3 =	simm.s32 $0x108;
	s8 =	sld [smem:$0x3FB2]  }
0x2e: {  	s3 =	simm.s32 @!p0 $0x1082;
	s9 =	sld [smem:$0x3FB3]  }
0x2f: {  	lr =	sadd.s32 s0, s3;
	s0 =	sld [smem:$0x3FAA]  }
0x30: {  	s3 =	sld [smem:$0x3FAD]  }
0x31: {  	[smem:$0x3FB6] =	sst s10  }
0x32: {  	s10 =	sld [smem:$0x3FB4];
	_ =	sdelay $0x3  }
0x33: {  	p0 =	seq.s32 s10, $0x1;
	s10 =	sld [smem:$0x3FB6];
	_ =	sdelay $0x3  }
0x34: {  	[smem:$0x3FB6] =	sst s10  }
0x35: {  	s10 =	sld [smem:$0x3FB5];
	_ =	sdelay $0x3  }
0x36: {  	p1 =	seq.s32 s10, $0x1;
	s10 =	sld [smem:$0x3FB6];
	_ =	sdelay $0x3  }
0x37: {  	[smem:$0x3FB6] =	sst s10  }
0x38: {  	s10 =	sld [smem:$0x3FB7]  }
0x39: {  	_ = 	snop;
	(pc) =	sbr.ind lr, $3  }
0x3a: {  	_ = 	snop  }
0x3b: {  	_ = 	snop  }
0x3c: {  	p2 =	seq.s32 s10, $0x1;
	s10 =	sld [smem:$0x3FB6]  }
0x3d: {  	_ =	shalt  }
0x3e: {  	_ =	shalt  }
0x3f: {  	_ =	shalt  }
0x40: {  	_ =	shalt  }
0x41: {  	_ =	shalt  }
0x42: {  	_ =	shalt  }
0x43: {  	_ =	shalt  }
0x44: {  	_ =	shalt  }
0x45: {  	_ =	shalt  }
0x46: {  	_ =	shalt  }
0x47: {  	_ =	shalt  }
0x48: {  	_ =	shalt  }
0x49: {  	_ =	shalt  }
0x4a: {  	_ =	shalt  }
0x4b: {  	_ =	shalt  }
0x4c: {  	_ =	shalt  }
0x4d: {  	_ =	shalt  }
0x4e: {  	_ =	shalt  }
0x4f: {  	_ =	shalt  }
0x50: {  	_ =	shalt  }
0x51: {  	_ =	shalt  }
0x52: {  	_ =	shalt  }
0x53: {  	_ =	shalt  }
0x54: {  	_ =	shalt  }
0x55: {  	_ =	shalt  }
0x56: {  	_ =	shalt  }
0x57: {  	_ =	shalt  }
0x58: {  	_ =	shalt  }
0x59: {  	_ =	shalt  }
0x5a: {  	_ =	shalt  }
0x5b: {  	_ =	shalt  }
0x5c: {  	_ =	shalt  }
0x5d: {  	_ =	shalt  }
0x5e: {  	_ =	shalt  }
0x5f: {  	_ =	shalt  }
0x60: {  	_ =	shalt  }
0x61: {  	_ =	shalt  }
0x62: {  	_ =	shalt  }
0x63: {  	_ =	shalt  }
0x64: {  	_ =	shalt  }
0x65: {  	_ =	shalt  }
0x66: {  	_ =	shalt  }
0x67: {  	_ =	shalt  }
0x68: {  	_ =	shalt  }
0x69: {  	_ =	shalt  }
0x6a: {  	_ =	shalt  }
0x6b: {  	_ =	shalt  }
0x6c: {  	_ =	shalt  }
0x6d: {  	_ =	shalt  }
0x6e: {  	_ =	shalt  }
0x6f: {  	_ =	shalt  }
0x70: {  	_ =	shalt  }
0x71: {  	_ =	shalt  }
0x72: {  	_ =	shalt  }
0x73: {  	_ =	shalt  }
0x74: {  	_ =	shalt  }
0x75: {  	_ =	shalt  }
0x76: {  	_ =	shalt  }
0x77: {  	_ =	shalt  }
0x78: {  	_ =	shalt  }
0x79: {  	_ =	shalt  }
0x7a: {  	_ =	shalt  }
0x7b: {  	_ =	shalt  }
0x7c: {  	_ =	shalt  }
0x7d: {  	_ =	shalt  }
0x7e: {  	_ =	shalt  }
0x7f: {  	_ =	shalt  }
0x80: {  	_ =	shalt  }
0x81: {  	_ =	shalt  }
0x82: {  	_ =	shalt  }
0x83: {  	_ =	shalt  }
0x84: {  	_ =	shalt  }
0x85: {  	_ =	shalt  }
0x86: {  	_ =	shalt  }
0x87: {  	_ =	shalt  }
.Lfunc_end0:
.L_simem_size_0:
called_computation.1_lowered:
.L_overlay_start_0:
0x88: {  	s2 =	sld [smem:$0x3FD9]  }
0x89: {  	s3 =	sld [smem:$0x3FFE];
	_ =	sdelay $0x1  }
0x8a: {  	s1 =	srdreg.scid  }
0x8b: {  	s0 =	sand.u32 $0x1, s1  }
0x8c: {  	s17 =	sshll.u32 s0, $0xA;
	s2 =	sadd.s32 s3, s2  }
0x8d: {  	s2 =	sadd.s32 s2, s17  }
0x8e: {  	[smem:$0x3FC2] =	sst s2  }
0x8f: {  	_ = 	snop  }
0x90: {  	(tm) =	ssettm $0x1  }
0x91: {  	s18 =	sld [smem:$0x3FFB];
	_ =	sdelay $0x3  }
0x92: {  	_ =	strace s18  }
0x93: {  	s2 =	sld [smem:$0x3FFC];
	_ =	sdelay $0x3  }
0x94: {  	_ =	strace s2  }
0x95: {  	s2 =	sld [smem:$0x3FFD];
	_ =	sdelay $0x3  }
0x96: {  	_ =	strace s2  }
0x97: {  	_ =	strace $0x8FFFFFFF  }
0x98: {  	s19 =	sld [smem:$0x3FDB];
	_ =	sdelay $0x1  }
0x99: {  	s20 =	simm.s32 $_scs_section_size  }
0x9a: {  	s4 =	simm.s32 $_size__tile_overlayer_lowered;
	s5 =	simm.s32 $_tile_overlayer_lowered  }
0x9b: {  	s6 =	simm.s32 $0x1BFF;
	s21 =	sshll.u32 s5, $0x1;
	s3 =	sadd.s32 s20, s19  }
0x9c: {  	s22 =	simm.s32 $0x0;
	s4 =	sshll.u32 s4, $0x1;
	s5 =	sadd.s32 s21, s3  }
0x9d: {  	[timem:s22], [sflag:s6] =	dma.local [hbm:s5], s4  }
0x9e: {  	_ =	swait.ge [sflag:s6], s4  }
0x9f: {  	s4 =	ssub.s32 $0x0, s4;
	[sflag:s6] =	ssyncset.done $0x0  }
0xa0: {  	[sflag:s6] =	ssyncadd.s32 s4;
	_ =	sdelay $0x1  }
0xa1: {  	s23 =	simm.s32 $0x1B8B  }
0xa2: {  	_ =	swait.ge [sflag:s23], $0x1  }
0xa3: {  	[sflag:s23] =	ssyncset.done $0x0  }
0xa4: {  	[sflag:s23] =	ssyncadd.s32 $0xFFFFFFFF  }
0xa5: {  	s4 =	sld [smem:$0x0]  }
0xa6: {  	s5 =	sand.u32 $0xFFFFFFFE, s1  }
0xa7: {  	p0 =	sne.s32 s1, s5  }
0xa8: {  	s5 =	sshll.u32 @p0 s5, $0xE  }
0xa9: {  	s5 =	sadd.s32 @p0 $0x11B8D, s5;
	s6 =	sshll.u32 @p0 s4, $0x11  }
0xaa: {  	s5 =	sor.u32 @p0 s6, s5  }
0xab: {  	[sflag:s5] =	ssyncadd.remote.s32 @p0 $0x1;
	_ =	sdelay $0x1  }
0xac: {  	s5 =	simm.s32 @p0 $0x1B8D  }
0xad: {  	_ =	swait.eq @p0 [sflag:s5], $0x1  }
0xae: {  	[sflag:s5] =	ssyncadd.s32 @p0 $0xFFFFFFFF  }
0xaf: {  	s6 =	sshll.u32 @!p0 s1, $0xE  }
0xb0: {  	s6 =	sor.u32 @!p0 $0x4000, s6;
	s5 =	simm.s32 @!p0 $0x1B8D  }
0xb1: {  	s4 =	sshll.u32 @!p0 s4, $0x11;
	s6 =	sadd.s32 @!p0 $0x11B8D, s6;
	_ =	swait.eq @!p0 [sflag:s5], $0x1  }
0xb2: {  	s4 =	sor.u32 @!p0 s4, s6;
	[sflag:s5] =	ssyncadd.s32 @!p0 $0xFFFFFFFF  }
0xb3: {  	s25 =	simm.s32 $0x1B8E;
	s24 =	sld [smem:$0x3FFE];
	[sflag:s4] =	ssyncadd.remote.s32 @!p0 $0x1  }
0xb4: {  	s26 =	simm.s32 $execute0_lowered;
	[smem:$0x3FD2] =	sst s25  }
0xb5: {  	s5 =	sshll.u32 s26, $0x1;
	_ =	strace $0x80000049;
	[dreg:$0x1] =	wrdreg $0xFFFFFFFF  }
0xb6: {  	s28 =	simm.s32 $_size_execute0_lowered;
	s3 =	sadd.s32 s3, s5;
	[dreg:$0x0] =	wrdreg $0x0  }
0xb7: {  	s5 =	sshll.u32 s28, $0x1;
	[dreg:$0x2] =	wrdreg s3  }
0xb8: {  	[dreg:$0x3] =	wrdreg s5  }
0xb9: {  	[dreg:$0x4] =	wrdreg $0xC0  }
0xba: {  	_ =	task [dreg:s22], $0x5FFFF  }
0xbb: {  	[dreg:$0x1] =	wrdreg $0xFFFFFFFF  }
0xbc: {  	[dreg:$0x0] =	wrdreg $0x60  }
0xbd: {  	[dreg:$0x2] =	wrdreg s24  }
0xbe: {  	[dreg:$0x3] =	wrdreg $0x80800  }
0xbf: {  	[dreg:$0x4] =	wrdreg $0xA  }
0xc0: {  	_ =	task.clear_ibuf [dreg:s22], $0x5FFFF;
	_ =	strace $0x90000049  }
0xc1: {  	s29 =	simm.s32 $0xA;
	_ =	strace $0x8000004B  }
0xc2: {  	_ =	swait.ge [sflag:s29], $0x1  }
0xc3: {  	[sflag:s29] =	ssyncadd.s32 $0xFFFFFFFF  }
0xc4: {  	_ =	strace $0x9000004B  }
0xc5: {  	_ =	sfence  }
0xc6: {  	s30 =	sld [smem:$0x0];
	_ =	sdelay $0x2  }
0xc7: {  	s31 =	sshll.u32 s1, $0xD;
	s1 =	sshrl.u32 s1, $0x2  }
0xc8: {  	s4 =	sand.u32 $0x4000, s31;
	s1 =	sadd.s32 s1, s30  }
0xc9: {  	s0 =	sor.u32 s4, s0;
	s1 =	sshll.u32 s1, $0x11  }
0xca: {  	s0 =	sor.u32 s1, s0  }
0xcb: {  	s0 =	sadd.s32 $0x8F2B, s0  }
0xcc: {  	[sflag:s0] =	ssyncadd.remote.s32 $0x1  }
0xcd: {  	_ =	sfence.sel $0xFFFF  }
0xce: {  	[dreg:$0x0] =	wrdreg $0xFFFFFFFF;
	(pc) =	sbr.abs _section_cstart, $3  }
0xcf: {  	[dreg:$0x1] =	wrdreg $0xFFFFFFFF  }
0xd0: {  	_ =	task.clear_ibuf [dreg:s22], $0x2FFFF;
	_ =	strace $0x9FFFFFFF  }
0xd1: {  	(tm) =	ssettm $0x7FFFFFFF  }
tec
execute0_lowered:
.L_overlay_start_1:
0x0: {  	(tag) =	ssettag $0x1  }
0x1: {  	s6 =	rddreg [dreg:$0x0]  }
0x2: {  	s2 =	rddreg [dreg:$0x1]  }
0x3: {  	s0 =	rddreg [dreg:$0x2];
	s1 =	stileid.u32  }
0x4: {  	s3 =	simm.s32 $0x0;
	s5 =	srdreg.scid;
	s4 =	smul.u32 $0x4F0, s1  }
0x5: {  	s20 =	simm.s32 $0x4080;
	s21 =	simm.s32 $0x0;
	s9 =	smul.u32 $0x278, s1  }
0x6: {  	[smem:$0x7FF] =	sst s3;
	s5 =	sand.u32 $0x1, s5;
	s10 =	smul.u32 $0x4F000, s1  }
0x7: {  	s15 =	sadd.s32 $0x60600, s6;
	s12 =	smul.u32 $0x2780, s1;
	_ =	strace $0x8000004A  }
0x8: {  	s7 =	ssub.s32 $0x2, s5;
	s5 =	sadd.s32 $0x5FE00, s6;
	s17 =	sadd.s32 s4, s6  }
0x9: {  	s4 =	sadd.s32 $0x10600, s6;
	s8 =	sshrl.u32 s7, $0x1;
	s26 =	sshrl.u32 s10, $0x2  }
0xa: {  	s28 =	sadd.s32 $0x80, s9;
	s13 =	sadd.s32 $0x100, s9;
	s14 =	sadd.s32 $0x180, s9  }
0xb: {  	s18 =	sadd.s32 $0x1F8, s9;
	s16 =	ssub.s32 s7, s8;
	s6 =	sadd.s32 s26, s2  }
0xc: {  	s29 =	sshll.u32 s28, $0x7;
	s30 =	sshll.u32 s13, $0x7;
	s11 =	sshll.u32 s14, $0x7  }
0xd: {  	s31 =	sshll.u32 s18, $0x7;
	s19 =	sshll.u32 s28, $0x4;
	s13 =	sshll.u32 s13, $0x4  }
0xe: {  	s14 =	sshll.u32 s14, $0x4;
	s18 =	sshll.u32 s18, $0x4;
	s17 =	sadd.s32 $0xB600, s17  }
0xf: {  	s7 =	sadd.s32 s29, s2;
	s8 =	sadd.s32 s30, s2;
	s9 =	sadd.s32 s11, s2  }
0x10: {  	s10 =	sadd.s32 s31, s2;
	s11 =	sadd.s32 s15, s12;
	s12 =	sadd.s32 s15, s19  }
0x11: {  	s13 =	sadd.s32 s15, s13;
	s14 =	sadd.s32 s15, s14;
	s15 =	sadd.s32 s15, s18  }
0x12: {  	s16 =	smax.u32 s16, $0x1;
	s18 =	simm.s32 $0x80;
	s19 =	simm.s32 $0x1  }
.LBB2_1:
0x13: {  	[tilespmem:s18], [sflag:$0x1] =	stream.linear.gather [hbm4b:s4+s3], $0x4000, $0x38;
	[tilespmem:$0x1BC80] =	vst v63  }
0x14: {  	_ =	swait.ge [sflag:s19], $0x4000  }
0x15: {  	[sflag:s19] =	ssyncset.done $0x0  }
0x16: {  	[sflag:s19] =	ssyncadd.s32 $0xFFFFC000  }
0x17: {  	[tilespmem:s20], [sflag:$0x1] =	stream.linear.gather [hbm4b:s5+s3], $0x4000, $0x38;
	[tilespmem:$0x1BC80] =	vst v63  }
0x18: {  	_ =	swait.ge [sflag:s19], $0x4000  }
0x19: {  	[sflag:s19] =	ssyncset.done $0x0  }
0x1a: {  	[sflag:s19] =	ssyncadd.s32 $0xFFFFC000  }
0x1b: {  	[spmem:s6] =	stream.linear.scatter [tilespmem:s18], [sflag:$0x1], $0x4000, $0x38;
	[tilespmem:$0x1BC80] =	vst v63  }
0x1c: {  	_ =	swait.ge [sflag:s19], $0x4000  }
0x1d: {  	[sflag:s19] =	ssyncset.done $0x0  }
0x1e: {  	[sflag:s19] =	ssyncadd.s32 $0xFFFFC000  }
0x1f: {  	[spmem:s7] =	stream.linear.scatter [tilespmem:s18], [sflag:$0x1], $0x4000, $0x38;
	[tilespmem:$0x1BC80] =	vst v63  }
0x20: {  	_ =	swait.ge [sflag:s19], $0x4000  }
0x21: {  	[sflag:s19] =	ssyncset.done $0x0  }
0x22: {  	[sflag:s19] =	ssyncadd.s32 $0xFFFFC000  }
0x23: {  	[spmem:s8] =	stream.linear.scatter [tilespmem:s18], [sflag:$0x1], $0x4000, $0x38;
	[tilespmem:$0x1BC80] =	vst v63  }
0x24: {  	_ =	swait.ge [sflag:s19], $0x4000  }
0x25: {  	[sflag:s19] =	ssyncset.done $0x0  }
0x26: {  	[sflag:s19] =	ssyncadd.s32 $0xFFFFC000  }
0x27: {  	[spmem:s9] =	stream.linear.scatter [tilespmem:s18], [sflag:$0x1], $0x4000, $0x38;
	[tilespmem:$0x1BC80] =	vst v63  }
0x28: {  	_ =	swait.ge [sflag:s19], $0x4000  }
0x29: {  	[sflag:s19] =	ssyncset.done $0x0  }
0x2a: {  	[sflag:s19] =	ssyncadd.s32 $0xFFFFC000  }
0x2b: {  	[spmem:s10] =	stream.linear.scatter [tilespmem:s18], [sflag:$0x1], $0x4000, $0x38;
	[tilespmem:$0x1BC80] =	vst v63  }
0x2c: {  	_ =	swait.ge [sflag:s19], $0x4000  }
0x2d: {  	[sflag:s19] =	ssyncset.done $0x0  }
0x2e: {  	[sflag:s19] =	ssyncadd.s32 $0xFFFFC000  }
0x2f: {  	s22 =	sadd.s32 $0x0, s17;
	[bflag:$0x0] =	sbarrier.arrive $0xFFFF  }
0x30: {  	[tilespmem:s3], [sflag:$0x1] =	stream.linear.gather [hbm4b:s22+s3], $0x80, $0x38;
	[tilespmem:$0x1BC80] =	vst v63  }
0x31: {  	_ =	swait.ge [sflag:s19], $0x80  }
0x32: {  	[sflag:s19] =	ssyncset.done $0x0  }
0x33: {  	[sflag:s19] =	ssyncadd.s32 $0xFFFFFF80  }
0x34: {  	[spmem:s2] =	stream.indirect.scatter.add.f32 [tilespmem:s20], [sflag:$0x1], $0x80, s3, s18, $0xb8;
	[tilespmem:$0x1BC80] =	vst v63  }
0x35: {  	_ =	swait.ge [sflag:s19], $0x4000  }
0x36: {  	s23 =	simm.s32 $0x20;
	s22 =	simm.s32 $0x10;
	[sflag:s19] =	ssyncset.done $0x0  }
.LBB2_2:
0x37: {  	s24 =	sadd.s32 s22, s17  }
0x38: {  	[sflag:s19] =	ssyncadd.s32 $0xFFFFC000;
	s22 =	smov.u32 s23;
	s25 =	sadd.s32 $0x10, s23  }
0x39: {  	[tilespmem:s3], [sflag:$0x1] =	stream.linear.gather [hbm4b:s24+s3], $0x80, $0x38;
	[tilespmem:$0x1BC80] =	vst v63  }
0x3a: {  	p0 =	sne.s32 s23, $0x4E0;
	_ =	swait.ge [sflag:s19], $0x80  }
.Ltmp0:
0x3b: {  	[sflag:s19] =	ssyncset.done $0x0;
	(pc) =	sbr.rel @p0 .LBB2_2-.Ltmp0, $4  }
0x3c: {  	[sflag:s19] =	ssyncadd.s32 $0xFFFFFF80  }
0x3d: {  	[spmem:s2] =	stream.indirect.scatter.add.f32 [tilespmem:s20], [sflag:$0x1], $0x80, s3, s18, $0xb8;
	[tilespmem:$0x1BC80] =	vst v63  }
0x3e: {  	_ =	swait.ge [sflag:s19], $0x4000  }
0x3f: {  	s23 =	smov.u32 s25;
	[sflag:s19] =	ssyncset.done $0x0  }
0x40: {  	s22 =	sadd.s32 s22, s17;
	[sflag:s19] =	ssyncadd.s32 $0xFFFFC000  }
0x41: {  	[tilespmem:s3], [sflag:$0x1] =	stream.linear.gather [hbm4b:s22+s3], $0x80, $0x38;
	[tilespmem:$0x1BC80] =	vst v63  }
0x42: {  	_ =	swait.ge [sflag:s19], $0x80  }
0x43: {  	[sflag:s19] =	ssyncset.done $0x0  }
0x44: {  	[sflag:s19] =	ssyncadd.s32 $0xFFFFFF80  }
0x45: {  	[spmem:s2] =	stream.indirect.scatter.add.f32 [tilespmem:s20], [sflag:$0x1], $0x80, s3, s18, $0xb8;
	[tilespmem:$0x1BC80] =	vst v63  }
0x46: {  	_ =	swait.ge [sflag:s19], $0x4000  }
0x47: {  	[sflag:s19] =	ssyncset.done $0x0  }
0x48: {  	[sflag:s19] =	ssyncadd.s32 $0xFFFFC000  }
0x49: {  	[bflag:$0x0] =	sbarrier.arrive $0xFFFF  }
0x4a: {  	[tilespmem:s18], [sflag:$0x1] =	stream.linear.gather [spmem:s6], $0x4000, $0x38;
	[tilespmem:$0x1BC80] =	vst v63  }
0x4b: {  	_ =	swait.ge [sflag:s19], $0x4000  }
0x4c: {  	[sflag:s19] =	ssyncset.done $0x0  }
0x4d: {  	[sflag:s19] =	ssyncadd.s32 $0xFFFFC000  }
0x4e: {  	[hbm4b:s11+s3] =	stream.linear.scatter [tilespmem:s18], [sflag:$0x1], $0x4000, $0x38;
	[tilespmem:$0x1BC80] =	vst v63  }
0x4f: {  	_ =	swait.ge [sflag:s19], $0x4000  }
0x50: {  	[sflag:s19] =	ssyncset.done $0x0  }
0x51: {  	[sflag:s19] =	ssyncadd.s32 $0xFFFFC000  }
0x52: {  	[tilespmem:s18], [sflag:$0x1] =	stream.linear.gather [spmem:s7], $0x4000, $0x38;
	[tilespmem:$0x1BC80] =	vst v63  }
0x53: {  	_ =	swait.ge [sflag:s19], $0x4000  }
0x54: {  	[sflag:s19] =	ssyncset.done $0x0  }
0x55: {  	[sflag:s19] =	ssyncadd.s32 $0xFFFFC000  }
0x56: {  	[hbm4b:s12+s3] =	stream.linear.scatter [tilespmem:s18], [sflag:$0x1], $0x4000, $0x38;
	[tilespmem:$0x1BC80] =	vst v63  }
0x57: {  	_ =	swait.ge [sflag:s19], $0x4000  }
0x58: {  	[sflag:s19] =	ssyncset.done $0x0  }
0x59: {  	[sflag:s19] =	ssyncadd.s32 $0xFFFFC000  }
0x5a: {  	[tilespmem:s18], [sflag:$0x1] =	stream.linear.gather [spmem:s8], $0x4000, $0x38;
	[tilespmem:$0x1BC80] =	vst v63  }
0x5b: {  	_ =	swait.ge [sflag:s19], $0x4000  }
0x5c: {  	[sflag:s19] =	ssyncset.done $0x0  }
0x5d: {  	[sflag:s19] =	ssyncadd.s32 $0xFFFFC000  }
0x5e: {  	[hbm4b:s13+s3] =	stream.linear.scatter [tilespmem:s18], [sflag:$0x1], $0x4000, $0x38;
	[tilespmem:$0x1BC80] =	vst v63  }
0x5f: {  	_ =	swait.ge [sflag:s19], $0x4000  }
0x60: {  	[sflag:s19] =	ssyncset.done $0x0  }
0x61: {  	[sflag:s19] =	ssyncadd.s32 $0xFFFFC000  }
0x62: {  	[tilespmem:s18], [sflag:$0x1] =	stream.linear.gather [spmem:s9], $0x4000, $0x38;
	[tilespmem:$0x1BC80] =	vst v63  }
0x63: {  	_ =	swait.ge [sflag:s19], $0x4000  }
0x64: {  	[sflag:s19] =	ssyncset.done $0x0  }
0x65: {  	[sflag:s19] =	ssyncadd.s32 $0xFFFFC000  }
0x66: {  	[hbm4b:s14+s3] =	stream.linear.scatter [tilespmem:s18], [sflag:$0x1], $0x4000, $0x38;
	[tilespmem:$0x1BC80] =	vst v63  }
0x67: {  	_ =	swait.ge [sflag:s19], $0x4000  }
0x68: {  	[sflag:s19] =	ssyncset.done $0x0  }
0x69: {  	[sflag:s19] =	ssyncadd.s32 $0xFFFFC000  }
0x6a: {  	[tilespmem:s18], [sflag:$0x1] =	stream.linear.gather [spmem:s10], $0x4000, $0x38;
	[tilespmem:$0x1BC80] =	vst v63  }
0x6b: {  	s21 =	sadd.s32 $0x1, s21;
	_ =	swait.ge [sflag:s19], $0x4000  }
0x6c: {  	p0 =	sne.s32 s21, s16;
	[sflag:s19] =	ssyncset.done $0x0  }
.Ltmp1:
0x6d: {  	[sflag:s19] =	ssyncadd.s32 $0xFFFFC000;
	(pc) =	sbr.rel @p0 .LBB2_1-.Ltmp1, $4  }
0x6e: {  	[hbm4b:s15+s3] =	stream.linear.scatter [tilespmem:s18], [sflag:$0x1], $0x4000, $0x38;
	[tilespmem:$0x1BC80] =	vst v63  }
0x6f: {  	_ =	swait.ge [sflag:s19], $0x4000  }
0x70: {  	[sflag:s19] =	ssyncset.done $0x0  }
0x71: {  	[sflag:s19] =	ssyncadd.s32 $0xFFFFC000  }
0x72: {  	_ =	sfence.sel $0x180000  }
0x73: {  	[bflag:$0x0] =	sbarrier.arrive $0xFFFF  }
0x74: {  	p0 =	sne.s32 s1, $0x0;
	_ =	strace $0x9000004A  }
0x75: {  	s0 =	sadd.s32 @!p0 $0x100000, s0;
	[bflag:$0x2] =	sbarrier.arrive $0xFFFF  }
0x76: {  	[sflag:s0] =	ssyncadd.tile.s32 @!p0 $0x1;
	_ =	shalt  }
.Lfunc_end2:
_tile_overlayer_lowered:
.L_overlay_start_2:
0x77: {  	(tag) =	ssettag $0x2  }
0x78: {  	s0 =	rddreg [dreg:$0x0];
	s2 =	stileid.u32  }
0x79: {  	s1 =	rddreg [dreg:$0x1];
	p0 =	sne.s32 s2, $0x0  }
0x7a: {  	s3 =	rddreg [dreg:$0x2];
	[bflag:$0x3] =	sbarrier.arrive $0xFFFF;
	s2 =	simm.s32 @!p0 $0x1C01  }
0x7b: {  	[timem:s3], [sflag:s2] =	dma.local @!p0 [hbm:s0], s1  }
0x7c: {  	s0 =	simm.s32 @!p0 $0x1  }
0x7d: {  	_ =	swait.ge @!p0 [sflag:s0], s1  }
0x7e: {  	s1 =	ssub.s32 @!p0 $0x0, s1;
	[sflag:s0] =	ssyncset.done @!p0 $0x0  }
0x7f: {  	[sflag:s0] =	ssyncadd.s32 @!p0 s1  }
0x80: {  	[bflag:$0x3] =	sbarrier.arrive $0xFFFF  }
0x81: {  	_ =	shalt  }

</sc_bundles>
